<compile_context>
chip_gen: v7x
topology: tpu7x:2x2x1
jax: 0.10.2.dev20260603
libtpu: 0.0.44.dev20260713+nightly
codegen_flags: <defaults>
</compile_context>

<pallas_src>
import functools

import jax
import jax.numpy as jnp
from jax import lax
from jax.experimental import pallas as pl
from jax.experimental.pallas import tpu as pltpu
from jax.experimental.pallas import tpu_sc as plsc

N = 10000
D = 128
NC = 2
NS = 16
NW = NC * NS
CH = 128
N_ACC = 10240
STRIPE = N_ACC // NS

_ROW_BLK = 2000


def _scale_body(E, eblk, x_ref, n_ref, e_ref, y_ref, s_ref, d_ref):
    y_ref[...] = x_ref[...] * n_ref[...]
    i = pl.program_id(0)
    eidx = jax.lax.broadcasted_iota(jnp.int32, (1, eblk), 1) + i * eblk
    over = eidx - E
    valid = over < 0
    s_ref[...] = jnp.where(valid, e_ref[0:1, :], over % N)[None]
    d_ref[...] = jnp.where(valid, e_ref[1:2, :], N + over % (N_ACC - N))[None]


def _scale(x, norm_col, edge_index, e_pad):
    grid = (N // _ROW_BLK,)
    E = edge_index.shape[1]
    eblk = e_pad // grid[0]
    return pl.pallas_call(
        functools.partial(_scale_body, E, eblk),
        grid=grid,
        in_specs=[
            pl.BlockSpec((_ROW_BLK, D), lambda i: (i, 0)),
            pl.BlockSpec((_ROW_BLK, 1), lambda i: (i, 0)),
            pl.BlockSpec((2, eblk), lambda i: (0, i)),
        ],
        out_specs=[
            pl.BlockSpec((_ROW_BLK, D), lambda i: (i, 0)),
            pl.BlockSpec((1, 1, eblk), lambda i: (i, 0, 0)),
            pl.BlockSpec((1, 1, eblk), lambda i: (i, 0, 0)),
        ],
        out_shape=[
            jax.ShapeDtypeStruct((N, D), jnp.float32),
            jax.ShapeDtypeStruct((grid[0], 1, eblk), jnp.int32),
            jax.ShapeDtypeStruct((grid[0], 1, eblk), jnp.int32),
        ],
    )(x, norm_col, edge_index)


def _epilogue_body(g_ref, n_ref, x_ref, w1_ref, w2_ref, b_ref, o_ref):
    g = g_ref[0] + g_ref[1]
    f1 = n_ref[...] * g
    f2 = x_ref[...] * f1
    acc = lax.dot_general(f1, w1_ref[...], (((1,), (1,)), ((), ())),
                          preferred_element_type=jnp.float32)
    acc += lax.dot_general(f2, w2_ref[...], (((1,), (1,)), ((), ())),
                           preferred_element_type=jnp.float32)
    o_ref[...] = acc + b_ref[...]


def _epilogue(partials, norm_col, x, W1_w, W2_w, bias_row):
    grid = (N // _ROW_BLK,)
    return pl.pallas_call(
        _epilogue_body,
        grid=grid,
        in_specs=[
            pl.BlockSpec((2, _ROW_BLK, D), lambda i: (0, i, 0)),
            pl.BlockSpec((_ROW_BLK, 1), lambda i: (i, 0)),
            pl.BlockSpec((_ROW_BLK, D), lambda i: (i, 0)),
            pl.BlockSpec((D, D), lambda i: (0, 0)),
            pl.BlockSpec((D, D), lambda i: (0, 0)),
            pl.BlockSpec((1, D), lambda i: (0, 0)),
        ],
        out_specs=pl.BlockSpec((_ROW_BLK, D), lambda i: (i, 0)),
        out_shape=jax.ShapeDtypeStruct((N, D), jnp.float32),
    )(partials, norm_col, x, W1_w, W2_w, bias_row)


def _make_sc_scatter(cpw, n_passes=2):
    mesh = plsc.VectorSubcoreMesh(core_axis_name="c", subcore_axis_name="s")
    cpg = cpw // n_passes

    @functools.partial(
        pl.kernel,
        out_type=jax.ShapeDtypeStruct((NC, N_ACC, D), jnp.float32),
        mesh=mesh,
        scratch_types=[
            pltpu.VMEM((cpg, CH), jnp.int32),
            pltpu.VMEM((cpg, CH), jnp.int32),
            pltpu.VMEM((CH, D), jnp.float32),
            pltpu.VMEM((CH, D), jnp.float32),
            pltpu.VMEM_SHARED((N_ACC, D), jnp.float32),
            pltpu.SemaphoreType.DMA,
            pltpu.SemaphoreType.DMA,
            pltpu.SemaphoreType.DMA,
            pltpu.SemaphoreType.DMA,
        ],
    )
    def sc_scatter(y_hbm, srci_hbm, dsti_hbm, zer_hbm, out_hbm,
                   src_v, dst_v, buf0, buf1, acc_sh, sem0, sem1, ssem0, ssem1):
        c = lax.axis_index("c")
        s = lax.axis_index("s")
        w = s * NC + c

        for p in range(n_passes):
            pltpu.sync_copy(srci_hbm.at[w].at[pl.ds(p * cpg, cpg)], src_v)
            pltpu.sync_copy(dsti_hbm.at[w].at[pl.ds(p * cpg, cpg)], dst_v)
            pltpu.async_copy(y_hbm.at[src_v.at[0]], buf0, sem0)

            if p == 0:
                pltpu.sync_copy(zer_hbm, buf1)

                @pl.loop(0, STRIPE // CH)
                def _(i):
                    pltpu.async_copy(
                        buf1, acc_sh.at[pl.ds(s * STRIPE + i * CH, CH)],
                        ssem1)

                @pl.loop(0, STRIPE // CH)
                def _(i):
                    pltpu.make_async_copy(
                        buf1, acc_sh.at[pl.ds(s * STRIPE + i * CH, CH)],
                        ssem1).wait()

            pltpu.async_copy(y_hbm.at[src_v.at[1]], buf1, sem1)

            if p == 0:
                plsc.subcore_barrier()

            @pl.loop(0, cpg, step=2)
            def _(j):
                @pl.when(j > 0)
                def _():
                    pltpu.make_async_copy(
                        buf1, acc_sh.at[dst_v.at[j - 1]], ssem1).wait()
                    pltpu.async_copy(y_hbm.at[src_v.at[j + 1]], buf1, sem1)

                pltpu.make_async_copy(y_hbm.at[src_v.at[j]], buf0, sem0).wait()
                pltpu.async_copy(buf0, acc_sh.at[dst_v.at[j]], ssem0, add=True)

                pltpu.make_async_copy(
                    buf0, acc_sh.at[dst_v.at[j]], ssem0).wait()

                @pl.when(j + 2 < cpg)
                def _():
                    pltpu.async_copy(y_hbm.at[src_v.at[j + 2]], buf0, sem0)

                pltpu.make_async_copy(y_hbm.at[src_v.at[j + 1]], buf1, sem1).wait()
                pltpu.async_copy(buf1, acc_sh.at[dst_v.at[j + 1]], ssem1,
                                 add=True)

            pltpu.make_async_copy(buf1, acc_sh.at[dst_v.at[cpg - 1]],
                                  ssem1).wait()

        plsc.subcore_barrier()

        @pl.loop(0, STRIPE // CH)
        def _(i):
            base = s * STRIPE + i * CH
            pltpu.async_copy(acc_sh.at[pl.ds(base, CH)],
                             out_hbm.at[c].at[pl.ds(base, CH)], sem0)

        @pl.loop(0, STRIPE // CH)
        def _(i):
            base = s * STRIPE + i * CH
            pltpu.make_async_copy(acc_sh.at[pl.ds(base, CH)],
                                  out_hbm.at[c].at[pl.ds(base, CH)],
                                  sem0).wait()

    return sc_scatter


@jax.jit
def kernel(x, norm, edge_index, W1_w, W1_b, W2_w, W2_b):
    E = edge_index.shape[1]
    epw = -(-E // NW)
    cpw = -(-epw // CH)
    cpw += (-cpw) % 4
    e_pad = NW * cpw * CH

    norm_col = norm[:, None]
    y, src_p, dst_p = _scale(x, norm_col, edge_index.astype(jnp.int32), e_pad)
    src_p = src_p.reshape(NW, cpw, CH)
    dst_p = dst_p.reshape(NW, cpw, CH)
    zeros_tile = jnp.zeros((CH, D), jnp.float32)
    partials = _make_sc_scatter(cpw)(y, src_p, dst_p, zeros_tile)
    bias_row = (W1_b + W2_b)[None, :]
    return _epilogue(partials, norm_col, x, W1_w, W2_w, bias_row)

# --- scband reference (transcript-rebuilt; emitter-appended) ---
"""Pipeline reference for scband-ngcflayer-19928648253535 (READ-ONLY COPY).

The authoritative reference and input builder live on the scoring server;
editing this copy changes nothing except your own understanding.
"""

import jax, jax.numpy as jnp
import numpy as np

N = 10000
E = 320000
D = 128

def setup_inputs(seed: int = 0) -> dict:
    key = jax.random.key(seed)
    k1, k2, k3, k4, k5, k6, k7 = jax.random.split(key, 7)
    x = jax.random.normal(k1, (N, D), dtype=jnp.float32)
    norm = jax.random.uniform(k2, (N,), dtype=jnp.float32)
    edge_index = jax.random.randint(k3, (2, E), 0, N, dtype=jnp.int64)
    # Xavier-uniform linear weights, zero-init-like biases (kaiming-ish small)
    limit = float(np.sqrt(6.0 / (D + D)))
    W1_w = jax.random.uniform(k4, (D, D), dtype=jnp.float32, minval=-limit, maxval=limit)
    W1_b = jax.random.uniform(k5, (D,), dtype=jnp.float32, minval=-limit, maxval=limit)
    W2_w = jax.random.uniform(k6, (D, D), dtype=jnp.float32, minval=-limit, maxval=limit)
    W2_b = jax.random.uniform(k7, (D,), dtype=jnp.float32, minval=-limit, maxval=limit)
    return {"x": x, "norm": norm, "edge_index": edge_index,
            "W1_w": W1_w, "W1_b": W1_b, "W2_w": W2_w, "W2_b": W2_b}

def reference(x, norm, edge_index, W1_w, W1_b, W2_w, W2_b):
    # NGCFLayer.forward_graph (eval mode: dropouts are identity)
    src = edge_index[0]
    dst = edge_index[1]
    # apply_edges(u_mul_v('norm','norm','coef')): coef = norm[src]*norm[dst]
    coef = (norm[src] * norm[dst])[:, None]
    # m2 = x[src]*x[dst]; m1 = x[src]; then both scaled by coef (edge_sum)
    x_src = jnp.take(x, src, axis=0)
    x_dst = jnp.take(x, dst, axis=0)
    m1 = x_src * coef
    m2 = (x_src * x_dst) * coef
    # update_all(copy_e, sum) -> scatter-add onto destination nodes
    f1 = jnp.zeros_like(x).at[dst].add(m1)
    f2 = jnp.zeros_like(x).at[dst].add(m2)
    # W1(f1) + W2(f2) ; nn.Linear computes x @ W.T + b
    out = f1 @ W1_w.T + W1_b + f2 @ W2_w.T + W2_b
    return out

if __name__ == "__main__":
    import jax
    _d = setup_inputs()
    print(jax.jit(kernel)(*tuple(_d.values())))

</pallas_src>

<mosaic_0001>
#map = affine_map<(d0, d1) -> (0, 0)>
#map1 = affine_map<(d0, d1) -> (0, 0, 0)>
module attributes {stable_mosaic.version = 14 : i64} {
  func.func @sc_scatter(%arg0: i32, %arg1: i32, %arg2: memref<10000x128xf32, #tpu.memory_space<hbm>>, %arg3: memref<32x80x128xi32, #tpu.memory_space<hbm>>, %arg4: memref<32x80x128xi32, #tpu.memory_space<hbm>>, %arg5: memref<128x128xf32, #tpu.memory_space<hbm>>, %arg6: memref<2x10240x128xf32, #tpu.memory_space<hbm>>, %arg7: memref<40x128xi32, #tpu.memory_space<vmem>>, %arg8: memref<40x128xi32, #tpu.memory_space<vmem>>, %arg9: memref<128x128xf32, #tpu.memory_space<vmem>>, %arg10: memref<128x128xf32, #tpu.memory_space<vmem>>, %arg11: memref<10240x128xf32, #tpu.memory_space<vmem_shared>>, %arg12: memref<!tpu.dma_semaphore, #tpu.memory_space<semaphore_mem>>, %arg13: memref<!tpu.dma_semaphore, #tpu.memory_space<semaphore_mem>>, %arg14: memref<!tpu.dma_semaphore, #tpu.memory_space<semaphore_mem>>, %arg15: memref<!tpu.dma_semaphore, #tpu.memory_space<semaphore_mem>>) attributes {dimension_semantics = [#tpu.dimension_semantics<core_parallel>, #tpu.dimension_semantics<subcore_parallel>], iteration_bounds = array<i64: 2, 16>, scalar_prefetch = 0 : i64, scratch_operands = 9 : i64, tpu.core_type = #tpu.core_type<sc_vector_subcore>, window_params = [{transform_indices = #map}, {transform_indices = #map1}, {transform_indices = #map1}, {transform_indices = #map}, {transform_indices = #map1}]} {
    %mul3A = arith.constant 2 : i32
    %mul3A_0 = arith.muli %arg1, %mul3A : i32
    %add3A = arith.addi %mul3A_0, %arg0 : i32
    "tpu.region"() ({
      %run_scoped3A = tpu.sem_alloc : memref<!tpu.dma_semaphore, #tpu.memory_space<semaphore_mem>>
      %dma_start3A_71 = arith.constant 0 : i32
      %dma_start3A_72 = arith.constant 0 : i32
      %dma_start3A_73 = tpu.memref_slice %arg3[%add3A, %dma_start3A_71, %dma_start3A_72] : memref<32x80x128xi32, #tpu.memory_space<hbm>> -> memref<1x80x128xi32, #tpu.memory_space<hbm>>
      %dma_start3A_74 = tpu.memref_squeeze %dma_start3A_73 : memref<1x80x128xi32, #tpu.memory_space<hbm>> -> memref<80x128xi32, #tpu.memory_space<hbm>>
      %dma_start3A_75 = arith.constant 0 : i32
      %dma_start3A_76 = arith.constant 0 : i32
      %dma_start3A_77 = tpu.memref_slice %dma_start3A_74[%dma_start3A_75, %dma_start3A_76] : memref<80x128xi32, #tpu.memory_space<hbm>> -> memref<40x128xi32, #tpu.memory_space<hbm>>
      %dma_start3A_78 = arith.constant 0 : i32
      %dma_start3A_79 = arith.constant 0 : i32
      %dma_start3A_80 = tpu.memref_slice %arg3[%add3A, %dma_start3A_78, %dma_start3A_79] : memref<32x80x128xi32, #tpu.memory_space<hbm>> -> memref<1x80x128xi32, #tpu.memory_space<hbm>>
      %dma_start3A_81 = tpu.memref_squeeze %dma_start3A_80 : memref<1x80x128xi32, #tpu.memory_space<hbm>> -> memref<80x128xi32, #tpu.memory_space<hbm>>
      %dma_start3A_82 = arith.constant 0 : i32
      %dma_start3A_83 = arith.constant 0 : i32
      %dma_start3A_84 = tpu.memref_slice %dma_start3A_81[%dma_start3A_82, %dma_start3A_83] : memref<80x128xi32, #tpu.memory_space<hbm>> -> memref<40x128xi32, #tpu.memory_space<hbm>>
      tpu.enqueue_dma source(%dma_start3A_84 : memref<40x128xi32, #tpu.memory_space<hbm>>) target(%arg7 : memref<40x128xi32, #tpu.memory_space<vmem>>) target_semaphore(%run_scoped3A : memref<!tpu.dma_semaphore, #tpu.memory_space<semaphore_mem>>)
      %dma_wait3A_85 = arith.constant 0 : i32
      %dma_wait3A_86 = arith.constant 0 : i32
      %dma_wait3A_87 = tpu.memref_slice %arg3[%add3A, %dma_wait3A_85, %dma_wait3A_86] : memref<32x80x128xi32, #tpu.memory_space<hbm>> -> memref<1x80x128xi32, #tpu.memory_space<hbm>>
      %dma_wait3A_88 = tpu.memref_squeeze %dma_wait3A_87 : memref<1x80x128xi32, #tpu.memory_space<hbm>> -> memref<80x128xi32, #tpu.memory_space<hbm>>
      %dma_wait3A_89 = arith.constant 0 : i32
      %dma_wait3A_90 = arith.constant 0 : i32
      %dma_wait3A_91 = tpu.memref_slice %dma_wait3A_88[%dma_wait3A_89, %dma_wait3A_90] : memref<80x128xi32, #tpu.memory_space<hbm>> -> memref<40x128xi32, #tpu.memory_space<hbm>>
      %dma_wait3A_92 = arith.constant 0 : i32
      %dma_wait3A_93 = arith.constant 0 : i32
      %dma_wait3A_94 = tpu.memref_slice %arg3[%add3A, %dma_wait3A_92, %dma_wait3A_93] : memref<32x80x128xi32, #tpu.memory_space<hbm>> -> memref<1x80x128xi32, #tpu.memory_space<hbm>>
      %dma_wait3A_95 = tpu.memref_squeeze %dma_wait3A_94 : memref<1x80x128xi32, #tpu.memory_space<hbm>> -> memref<80x128xi32, #tpu.memory_space<hbm>>
      %dma_wait3A_96 = arith.constant 0 : i32
      %dma_wait3A_97 = arith.constant 0 : i32
      %dma_wait3A_98 = tpu.memref_slice %dma_wait3A_95[%dma_wait3A_96, %dma_wait3A_97] : memref<80x128xi32, #tpu.memory_space<hbm>> -> memref<40x128xi32, #tpu.memory_space<hbm>>
      tpu.wait_dma2 semaphore(%run_scoped3A : memref<!tpu.dma_semaphore, #tpu.memory_space<semaphore_mem>>) src(%dma_wait3A_98 : memref<40x128xi32, #tpu.memory_space<hbm>>) dst(%arg7 : memref<40x128xi32, #tpu.memory_space<vmem>>)
      tpu.yield
    }) : () -> ()
    "tpu.region"() ({
      %run_scoped3A = tpu.sem_alloc : memref<!tpu.dma_semaphore, #tpu.memory_space<semaphore_mem>>
      %dma_start3A_71 = arith.constant 0 : i32
      %dma_start3A_72 = arith.constant 0 : i32
      %dma_start3A_73 = tpu.memref_slice %arg4[%add3A, %dma_start3A_71, %dma_start3A_72] : memref<32x80x128xi32, #tpu.memory_space<hbm>> -> memref<1x80x128xi32, #tpu.memory_space<hbm>>
      %dma_start3A_74 = tpu.memref_squeeze %dma_start3A_73 : memref<1x80x128xi32, #tpu.memory_space<hbm>> -> memref<80x128xi32, #tpu.memory_space<hbm>>
      %dma_start3A_75 = arith.constant 0 : i32
      %dma_start3A_76 = arith.constant 0 : i32
      %dma_start3A_77 = tpu.memref_slice %dma_start3A_74[%dma_start3A_75, %dma_start3A_76] : memref<80x128xi32, #tpu.memory_space<hbm>> -> memref<40x128xi32, #tpu.memory_space<hbm>>
      %dma_start3A_78 = arith.constant 0 : i32
      %dma_start3A_79 = arith.constant 0 : i32
      %dma_start3A_80 = tpu.memref_slice %arg4[%add3A, %dma_start3A_78, %dma_start3A_79] : memref<32x80x128xi32, #tpu.memory_space<hbm>> -> memref<1x80x128xi32, #tpu.memory_space<hbm>>
      %dma_start3A_81 = tpu.memref_squeeze %dma_start3A_80 : memref<1x80x128xi32, #tpu.memory_space<hbm>> -> memref<80x128xi32, #tpu.memory_space<hbm>>
      %dma_start3A_82 = arith.constant 0 : i32
      %dma_start3A_83 = arith.constant 0 : i32
      %dma_start3A_84 = tpu.memref_slice %dma_start3A_81[%dma_start3A_82, %dma_start3A_83] : memref<80x128xi32, #tpu.memory_space<hbm>> -> memref<40x128xi32, #tpu.memory_space<hbm>>
      tpu.enqueue_dma source(%dma_start3A_84 : memref<40x128xi32, #tpu.memory_space<hbm>>) target(%arg8 : memref<40x128xi32, #tpu.memory_space<vmem>>) target_semaphore(%run_scoped3A : memref<!tpu.dma_semaphore, #tpu.memory_space<semaphore_mem>>)
      %dma_wait3A_85 = arith.constant 0 : i32
      %dma_wait3A_86 = arith.constant 0 : i32
      %dma_wait3A_87 = tpu.memref_slice %arg4[%add3A, %dma_wait3A_85, %dma_wait3A_86] : memref<32x80x128xi32, #tpu.memory_space<hbm>> -> memref<1x80x128xi32, #tpu.memory_space<hbm>>
      %dma_wait3A_88 = tpu.memref_squeeze %dma_wait3A_87 : memref<1x80x128xi32, #tpu.memory_space<hbm>> -> memref<80x128xi32, #tpu.memory_space<hbm>>
      %dma_wait3A_89 = arith.constant 0 : i32
      %dma_wait3A_90 = arith.constant 0 : i32
      %dma_wait3A_91 = tpu.memref_slice %dma_wait3A_88[%dma_wait3A_89, %dma_wait3A_90] : memref<80x128xi32, #tpu.memory_space<hbm>> -> memref<40x128xi32, #tpu.memory_space<hbm>>
      %dma_wait3A_92 = arith.constant 0 : i32
      %dma_wait3A_93 = arith.constant 0 : i32
      %dma_wait3A_94 = tpu.memref_slice %arg4[%add3A, %dma_wait3A_92, %dma_wait3A_93] : memref<32x80x128xi32, #tpu.memory_space<hbm>> -> memref<1x80x128xi32, #tpu.memory_space<hbm>>
      %dma_wait3A_95 = tpu.memref_squeeze %dma_wait3A_94 : memref<1x80x128xi32, #tpu.memory_space<hbm>> -> memref<80x128xi32, #tpu.memory_space<hbm>>
      %dma_wait3A_96 = arith.constant 0 : i32
      %dma_wait3A_97 = arith.constant 0 : i32
      %dma_wait3A_98 = tpu.memref_slice %dma_wait3A_95[%dma_wait3A_96, %dma_wait3A_97] : memref<80x128xi32, #tpu.memory_space<hbm>> -> memref<40x128xi32, #tpu.memory_space<hbm>>
      tpu.wait_dma2 semaphore(%run_scoped3A : memref<!tpu.dma_semaphore, #tpu.memory_space<semaphore_mem>>) src(%dma_wait3A_98 : memref<40x128xi32, #tpu.memory_space<hbm>>) dst(%arg8 : memref<40x128xi32, #tpu.memory_space<vmem>>)
      tpu.yield
    }) : () -> ()
    %dma_start3A = arith.constant 0 : i32
    %dma_start3A_1 = arith.constant 0 : i32
    %dma_start3A_2 = tpu.memref_slice %arg7[%dma_start3A, %dma_start3A_1] : memref<40x128xi32, #tpu.memory_space<vmem>> -> memref<1x128xi32, #tpu.memory_space<vmem>>
    %dma_start3A_3 = tpu.memref_squeeze %dma_start3A_2 : memref<1x128xi32, #tpu.memory_space<vmem>> -> memref<128xi32, #tpu.memory_space<vmem>>
    %dma_start3A_4 = arith.constant 0 : i32
    %dma_start3A_5 = arith.constant 0 : i32
    %dma_start3A_6 = tpu.memref_slice %arg2[%dma_start3A_4, %dma_start3A_5] : memref<10000x128xf32, #tpu.memory_space<hbm>> -> memref<10000x128xf32, #tpu.memory_space<hbm>>
    tpu.enqueue_indirect_dma source(%dma_start3A_6 : memref<10000x128xf32, #tpu.memory_space<hbm>>) target(%arg9 : memref<128x128xf32, #tpu.memory_space<vmem>>) offsets(%dma_start3A_3 : memref<128xi32, #tpu.memory_space<vmem>>) semaphore(%arg12 : memref<!tpu.dma_semaphore, #tpu.memory_space<semaphore_mem>>)
    "tpu.region"() ({
      %run_scoped3A = tpu.sem_alloc : memref<!tpu.dma_semaphore, #tpu.memory_space<semaphore_mem>>
      tpu.enqueue_dma source(%arg5 : memref<128x128xf32, #tpu.memory_space<hbm>>) target(%arg10 : memref<128x128xf32, #tpu.memory_space<vmem>>) target_semaphore(%run_scoped3A : memref<!tpu.dma_semaphore, #tpu.memory_space<semaphore_mem>>)
      tpu.wait_dma2 semaphore(%run_scoped3A : memref<!tpu.dma_semaphore, #tpu.memory_space<semaphore_mem>>) src(%arg5 : memref<128x128xf32, #tpu.memory_space<hbm>>) dst(%arg10 : memref<128x128xf32, #tpu.memory_space<vmem>>)
      tpu.yield
    }) : () -> ()
    %scan3A = arith.constant 0 : i32
    %scan3A_7 = arith.constant 5 : i32
    %scan3A_8 = arith.addi %scan3A, %scan3A_7 : i32
    %scan3A_9 = arith.constant 1 : i32
    scf.for %scan3A_71 = %scan3A to %scan3A_8 step %scan3A_9  : i32 {
      %mul3A_72 = arith.constant 1 : i32
      %mul3A_73 = arith.muli %scan3A_71, %mul3A_72 : i32
      %add3A_74 = arith.constant 0 : i32
      %add3A_75 = arith.addi %add3A_74, %mul3A_73 : i32
      %mul3A_76 = arith.constant 640 : i32
      %mul3A_77 = arith.muli %arg1, %mul3A_76 : i32
      %mul3A_78 = arith.constant 128 : i32
      %mul3A_79 = arith.muli %add3A_75, %mul3A_78 : i32
      %add3A_80 = arith.addi %mul3A_77, %mul3A_79 : i32
      %dma_start3A_81 = arith.constant 0 : i32
      %dma_start3A_82 = tpu.memref_slice %arg11[%add3A_80, %dma_start3A_81] : memref<10240x128xf32, #tpu.memory_space<vmem_shared>> -> memref<128x128xf32, #tpu.memory_space<vmem_shared>>
      %dma_start3A_83 = arith.constant 0 : i32
      %dma_start3A_84 = tpu.memref_slice %arg11[%add3A_80, %dma_start3A_83] : memref<10240x128xf32, #tpu.memory_space<vmem_shared>> -> memref<128x128xf32, #tpu.memory_space<vmem_shared>>
      tpu.enqueue_dma source(%arg10 : memref<128x128xf32, #tpu.memory_space<vmem>>) target(%dma_start3A_84 : memref<128x128xf32, #tpu.memory_space<vmem_shared>>) target_semaphore(%arg15 : memref<!tpu.dma_semaphore, #tpu.memory_space<semaphore_mem>>)
    }
    %scan3A_10 = arith.constant 5 : i32
    %scan3A_11 = arith.constant 0 : i32
    %scan3A_12 = arith.constant 5 : i32
    %scan3A_13 = arith.addi %scan3A_11, %scan3A_12 : i32
    %scan3A_14 = arith.constant 1 : i32
    scf.for %scan3A_71 = %scan3A_11 to %scan3A_13 step %scan3A_14  : i32 {
      %mul3A_72 = arith.constant 1 : i32
      %mul3A_73 = arith.muli %scan3A_71, %mul3A_72 : i32
      %add3A_74 = arith.constant 0 : i32
      %add3A_75 = arith.addi %add3A_74, %mul3A_73 : i32
      %mul3A_76 = arith.constant 640 : i32
      %mul3A_77 = arith.muli %arg1, %mul3A_76 : i32
      %mul3A_78 = arith.constant 128 : i32
      %mul3A_79 = arith.muli %add3A_75, %mul3A_78 : i32
      %add3A_80 = arith.addi %mul3A_77, %mul3A_79 : i32
      %dma_wait3A_81 = arith.constant 0 : i32
      %dma_wait3A_82 = tpu.memref_slice %arg11[%add3A_80, %dma_wait3A_81] : memref<10240x128xf32, #tpu.memory_space<vmem_shared>> -> memref<128x128xf32, #tpu.memory_space<vmem_shared>>
      %dma_wait3A_83 = arith.constant 0 : i32
      %dma_wait3A_84 = tpu.memref_slice %arg11[%add3A_80, %dma_wait3A_83] : memref<10240x128xf32, #tpu.memory_space<vmem_shared>> -> memref<128x128xf32, #tpu.memory_space<vmem_shared>>
      tpu.wait_dma2 semaphore(%arg15 : memref<!tpu.dma_semaphore, #tpu.memory_space<semaphore_mem>>) src(%arg10 : memref<128x128xf32, #tpu.memory_space<vmem>>) dst(%dma_wait3A_84 : memref<128x128xf32, #tpu.memory_space<vmem_shared>>)
    }
    %scan3A_15 = arith.constant 5 : i32
    %dma_start3A_16 = arith.constant 1 : i32
    %dma_start3A_17 = arith.constant 0 : i32
    %dma_start3A_18 = tpu.memref_slice %arg7[%dma_start3A_16, %dma_start3A_17] : memref<40x128xi32, #tpu.memory_space<vmem>> -> memref<1x128xi32, #tpu.memory_space<vmem>>
    %dma_start3A_19 = tpu.memref_squeeze %dma_start3A_18 : memref<1x128xi32, #tpu.memory_space<vmem>> -> memref<128xi32, #tpu.memory_space<vmem>>
    %dma_start3A_20 = arith.constant 0 : i32
    %dma_start3A_21 = arith.constant 0 : i32
    %dma_start3A_22 = tpu.memref_slice %arg2[%dma_start3A_20, %dma_start3A_21] : memref<10000x128xf32, #tpu.memory_space<hbm>> -> memref<10000x128xf32, #tpu.memory_space<hbm>>
    tpu.enqueue_indirect_dma source(%dma_start3A_22 : memref<10000x128xf32, #tpu.memory_space<hbm>>) target(%arg10 : memref<128x128xf32, #tpu.memory_space<vmem>>) offsets(%dma_start3A_19 : memref<128xi32, #tpu.memory_space<vmem>>) semaphore(%arg13 : memref<!tpu.dma_semaphore, #tpu.memory_space<semaphore_mem>>)
    %barrier3A = arith.constant 0 : index
    tpu.barrier barrier_id(%barrier3A)
    %scan3A_23 = arith.constant 0 : i32
    %scan3A_24 = arith.constant 20 : i32
    %scan3A_25 = arith.addi %scan3A_23, %scan3A_24 : i32
    %scan3A_26 = arith.constant 1 : i32
    scf.for %scan3A_71 = %scan3A_23 to %scan3A_25 step %scan3A_26  : i32 {
      %mul3A_72 = arith.constant 2 : i32
      %mul3A_73 = arith.muli %scan3A_71, %mul3A_72 : i32
      %add3A_74 = arith.constant 0 : i32
      %add3A_75 = arith.addi %add3A_74, %mul3A_73 : i32
      %gt3A = arith.constant 0 : i32
      %gt3A_76 = arith.cmpi sgt, %add3A_75, %gt3A : i32
      %convert_element_type3A = arith.extui %gt3A_76 : i1 to i32
      %cond3A = arith.constant 0 : i32
      %cond3A_77 = arith.cmpi ne, %convert_element_type3A, %cond3A : i32
      scf.if %cond3A_77 {
        %sub3A = arith.constant 1 : i32
        %sub3A_118 = arith.subi %add3A_75, %sub3A : i32
        %dma_wait3A_119 = arith.constant 0 : i32
        %dma_wait3A_120 = tpu.memref_slice %arg8[%sub3A_118, %dma_wait3A_119] : memref<40x128xi32, #tpu.memory_space<vmem>> -> memref<1x128xi32, #tpu.memory_space<vmem>>
        %dma_wait3A_121 = tpu.memref_squeeze %dma_wait3A_120 : memref<1x128xi32, #tpu.memory_space<vmem>> -> memref<128xi32, #tpu.memory_space<vmem>>
        %dma_wait3A_122 = arith.constant 0 : i32
        %dma_wait3A_123 = arith.constant 0 : i32
        %dma_wait3A_124 = tpu.memref_slice %arg11[%dma_wait3A_122, %dma_wait3A_123] : memref<10240x128xf32, #tpu.memory_space<vmem_shared>> -> memref<10240x128xf32, #tpu.memory_space<vmem_shared>>
        tpu.wait_indirect_dma semaphore(%arg15 : memref<!tpu.dma_semaphore, #tpu.memory_space<semaphore_mem>>) src(%arg10 : memref<128x128xf32, #tpu.memory_space<vmem>>) dst(%dma_wait3A_124 : memref<10240x128xf32, #tpu.memory_space<vmem_shared>>)
        %add3A_125 = arith.constant 1 : i32
        %add3A_126 = arith.addi %add3A_75, %add3A_125 : i32
        %dma_start3A_127 = arith.constant 0 : i32
        %dma_start3A_128 = tpu.memref_slice %arg7[%add3A_126, %dma_start3A_127] : memref<40x128xi32, #tpu.memory_space<vmem>> -> memref<1x128xi32, #tpu.memory_space<vmem>>
        %dma_start3A_129 = tpu.memref_squeeze %dma_start3A_128 : memref<1x128xi32, #tpu.memory_space<vmem>> -> memref<128xi32, #tpu.memory_space<vmem>>
        %dma_start3A_130 = arith.constant 0 : i32
        %dma_start3A_131 = arith.constant 0 : i32
        %dma_start3A_132 = tpu.memref_slice %arg2[%dma_start3A_130, %dma_start3A_131] : memref<10000x128xf32, #tpu.memory_space<hbm>> -> memref<10000x128xf32, #tpu.memory_space<hbm>>
        tpu.enqueue_indirect_dma source(%dma_start3A_132 : memref<10000x128xf32, #tpu.memory_space<hbm>>) target(%arg10 : memref<128x128xf32, #tpu.memory_space<vmem>>) offsets(%dma_start3A_129 : memref<128xi32, #tpu.memory_space<vmem>>) semaphore(%arg13 : memref<!tpu.dma_semaphore, #tpu.memory_space<semaphore_mem>>)
      } else {
      }
      %dma_wait3A_78 = arith.constant 0 : i32
      %dma_wait3A_79 = tpu.memref_slice %arg7[%add3A_75, %dma_wait3A_78] : memref<40x128xi32, #tpu.memory_space<vmem>> -> memref<1x128xi32, #tpu.memory_space<vmem>>
      %dma_wait3A_80 = tpu.memref_squeeze %dma_wait3A_79 : memref<1x128xi32, #tpu.memory_space<vmem>> -> memref<128xi32, #tpu.memory_space<vmem>>
      %dma_wait3A_81 = arith.constant 0 : i32
      %dma_wait3A_82 = arith.constant 0 : i32
      %dma_wait3A_83 = tpu.memref_slice %arg2[%dma_wait3A_81, %dma_wait3A_82] : memref<10000x128xf32, #tpu.memory_space<hbm>> -> memref<10000x128xf32, #tpu.memory_space<hbm>>
      tpu.wait_indirect_dma semaphore(%arg12 : memref<!tpu.dma_semaphore, #tpu.memory_space<semaphore_mem>>) src(%dma_wait3A_83 : memref<10000x128xf32, #tpu.memory_space<hbm>>) dst(%arg9 : memref<128x128xf32, #tpu.memory_space<vmem>>)
      %dma_start3A_84 = arith.constant 0 : i32
      %dma_start3A_85 = tpu.memref_slice %arg8[%add3A_75, %dma_start3A_84] : memref<40x128xi32, #tpu.memory_space<vmem>> -> memref<1x128xi32, #tpu.memory_space<vmem>>
      %dma_start3A_86 = tpu.memref_squeeze %dma_start3A_85 : memref<1x128xi32, #tpu.memory_space<vmem>> -> memref<128xi32, #tpu.memory_space<vmem>>
      %dma_start3A_87 = arith.constant 0 : i32
      %dma_start3A_88 = arith.constant 0 : i32
      %dma_start3A_89 = tpu.memref_slice %arg11[%dma_start3A_87, %dma_start3A_88] : memref<10240x128xf32, #tpu.memory_space<vmem_shared>> -> memref<10240x128xf32, #tpu.memory_space<vmem_shared>>
      tpu.enqueue_indirect_dma source(%arg9 : memref<128x128xf32, #tpu.memory_space<vmem>>) target(%dma_start3A_89 : memref<10240x128xf32, #tpu.memory_space<vmem_shared>>) offsets(%dma_start3A_86 : memref<128xi32, #tpu.memory_space<vmem>>) semaphore(%arg14 : memref<!tpu.dma_semaphore, #tpu.memory_space<semaphore_mem>>) {add = true}
      %dma_wait3A_90 = arith.constant 0 : i32
      %dma_wait3A_91 = tpu.memref_slice %arg8[%add3A_75, %dma_wait3A_90] : memref<40x128xi32, #tpu.memory_space<vmem>> -> memref<1x128xi32, #tpu.memory_space<vmem>>
      %dma_wait3A_92 = tpu.memref_squeeze %dma_wait3A_91 : memref<1x128xi32, #tpu.memory_space<vmem>> -> memref<128xi32, #tpu.memory_space<vmem>>
      %dma_wait3A_93 = arith.constant 0 : i32
      %dma_wait3A_94 = arith.constant 0 : i32
      %dma_wait3A_95 = tpu.memref_slice %arg11[%dma_wait3A_93, %dma_wait3A_94] : memref<10240x128xf32, #tpu.memory_space<vmem_shared>> -> memref<10240x128xf32, #tpu.memory_space<vmem_shared>>
      tpu.wait_indirect_dma semaphore(%arg14 : memref<!tpu.dma_semaphore, #tpu.memory_space<semaphore_mem>>) src(%arg9 : memref<128x128xf32, #tpu.memory_space<vmem>>) dst(%dma_wait3A_95 : memref<10240x128xf32, #tpu.memory_space<vmem_shared>>)
      %add3A_96 = arith.constant 2 : i32
      %add3A_97 = arith.addi %add3A_75, %add3A_96 : i32
      %lt3A = arith.constant 40 : i32
      %lt3A_98 = arith.cmpi slt, %add3A_97, %lt3A : i32
      %convert_element_type3A_99 = arith.extui %lt3A_98 : i1 to i32
      %cond3A_100 = arith.constant 0 : i32
      %cond3A_101 = arith.cmpi ne, %convert_element_type3A_99, %cond3A_100 : i32
      scf.if %cond3A_101 {
        %add3A_118 = arith.constant 2 : i32
        %add3A_119 = arith.addi %add3A_75, %add3A_118 : i32
        %dma_start3A_120 = arith.constant 0 : i32
        %dma_start3A_121 = tpu.memref_slice %arg7[%add3A_119, %dma_start3A_120] : memref<40x128xi32, #tpu.memory_space<vmem>> -> memref<1x128xi32, #tpu.memory_space<vmem>>
        %dma_start3A_122 = tpu.memref_squeeze %dma_start3A_121 : memref<1x128xi32, #tpu.memory_space<vmem>> -> memref<128xi32, #tpu.memory_space<vmem>>
        %dma_start3A_123 = arith.constant 0 : i32
        %dma_start3A_124 = arith.constant 0 : i32
        %dma_start3A_125 = tpu.memref_slice %arg2[%dma_start3A_123, %dma_start3A_124] : memref<10000x128xf32, #tpu.memory_space<hbm>> -> memref<10000x128xf32, #tpu.memory_space<hbm>>
        tpu.enqueue_indirect_dma source(%dma_start3A_125 : memref<10000x128xf32, #tpu.memory_space<hbm>>) target(%arg9 : memref<128x128xf32, #tpu.memory_space<vmem>>) offsets(%dma_start3A_122 : memref<128xi32, #tpu.memory_space<vmem>>) semaphore(%arg12 : memref<!tpu.dma_semaphore, #tpu.memory_space<semaphore_mem>>)
      } else {
      }
      %add3A_102 = arith.constant 1 : i32
      %add3A_103 = arith.addi %add3A_75, %add3A_102 : i32
      %dma_wait3A_104 = arith.constant 0 : i32
      %dma_wait3A_105 = tpu.memref_slice %arg7[%add3A_103, %dma_wait3A_104] : memref<40x128xi32, #tpu.memory_space<vmem>> -> memref<1x128xi32, #tpu.memory_space<vmem>>
      %dma_wait3A_106 = tpu.memref_squeeze %dma_wait3A_105 : memref<1x128xi32, #tpu.memory_space<vmem>> -> memref<128xi32, #tpu.memory_space<vmem>>
      %dma_wait3A_107 = arith.constant 0 : i32
      %dma_wait3A_108 = arith.constant 0 : i32
      %dma_wait3A_109 = tpu.memref_slice %arg2[%dma_wait3A_107, %dma_wait3A_108] : memref<10000x128xf32, #tpu.memory_space<hbm>> -> memref<10000x128xf32, #tpu.memory_space<hbm>>
      tpu.wait_indirect_dma semaphore(%arg13 : memref<!tpu.dma_semaphore, #tpu.memory_space<semaphore_mem>>) src(%dma_wait3A_109 : memref<10000x128xf32, #tpu.memory_space<hbm>>) dst(%arg10 : memref<128x128xf32, #tpu.memory_space<vmem>>)
      %add3A_110 = arith.constant 1 : i32
      %add3A_111 = arith.addi %add3A_75, %add3A_110 : i32
      %dma_start3A_112 = arith.constant 0 : i32
      %dma_start3A_113 = tpu.memref_slice %arg8[%add3A_111, %dma_start3A_112] : memref<40x128xi32, #tpu.memory_space<vmem>> -> memref<1x128xi32, #tpu.memory_space<vmem>>
      %dma_start3A_114 = tpu.memref_squeeze %dma_start3A_113 : memref<1x128xi32, #tpu.memory_space<vmem>> -> memref<128xi32, #tpu.memory_space<vmem>>
      %dma_start3A_115 = arith.constant 0 : i32
      %dma_start3A_116 = arith.constant 0 : i32
      %dma_start3A_117 = tpu.memref_slice %arg11[%dma_start3A_115, %dma_start3A_116] : memref<10240x128xf32, #tpu.memory_space<vmem_shared>> -> memref<10240x128xf32, #tpu.memory_space<vmem_shared>>
      tpu.enqueue_indirect_dma source(%arg10 : memref<128x128xf32, #tpu.memory_space<vmem>>) target(%dma_start3A_117 : memref<10240x128xf32, #tpu.memory_space<vmem_shared>>) offsets(%dma_start3A_114 : memref<128xi32, #tpu.memory_space<vmem>>) semaphore(%arg15 : memref<!tpu.dma_semaphore, #tpu.memory_space<semaphore_mem>>) {add = true}
    }
    %scan3A_27 = arith.constant 20 : i32
    %dma_wait3A = arith.constant 39 : i32
    %dma_wait3A_28 = arith.constant 0 : i32
    %dma_wait3A_29 = tpu.memref_slice %arg8[%dma_wait3A, %dma_wait3A_28] : memref<40x128xi32, #tpu.memory_space<vmem>> -> memref<1x128xi32, #tpu.memory_space<vmem>>
    %dma_wait3A_30 = tpu.memref_squeeze %dma_wait3A_29 : memref<1x128xi32, #tpu.memory_space<vmem>> -> memref<128xi32, #tpu.memory_space<vmem>>
    %dma_wait3A_31 = arith.constant 0 : i32
    %dma_wait3A_32 = arith.constant 0 : i32
    %dma_wait3A_33 = tpu.memref_slice %arg11[%dma_wait3A_31, %dma_wait3A_32] : memref<10240x128xf32, #tpu.memory_space<vmem_shared>> -> memref<10240x128xf32, #tpu.memory_space<vmem_shared>>
    tpu.wait_indirect_dma semaphore(%arg15 : memref<!tpu.dma_semaphore, #tpu.memory_space<semaphore_mem>>) src(%arg10 : memref<128x128xf32, #tpu.memory_space<vmem>>) dst(%dma_wait3A_33 : memref<10240x128xf32, #tpu.memory_space<vmem_shared>>)
    "tpu.region"() ({
      %run_scoped3A = tpu.sem_alloc : memref<!tpu.dma_semaphore, #tpu.memory_space<semaphore_mem>>
      %dma_start3A_71 = arith.constant 0 : i32
      %dma_start3A_72 = arith.constant 0 : i32
      %dma_start3A_73 = tpu.memref_slice %arg3[%add3A, %dma_start3A_71, %dma_start3A_72] : memref<32x80x128xi32, #tpu.memory_space<hbm>> -> memref<1x80x128xi32, #tpu.memory_space<hbm>>
      %dma_start3A_74 = tpu.memref_squeeze %dma_start3A_73 : memref<1x80x128xi32, #tpu.memory_space<hbm>> -> memref<80x128xi32, #tpu.memory_space<hbm>>
      %dma_start3A_75 = arith.constant 40 : i32
      %dma_start3A_76 = arith.constant 0 : i32
      %dma_start3A_77 = tpu.memref_slice %dma_start3A_74[%dma_start3A_75, %dma_start3A_76] : memref<80x128xi32, #tpu.memory_space<hbm>> -> memref<40x128xi32, #tpu.memory_space<hbm>>
      %dma_start3A_78 = arith.constant 0 : i32
      %dma_start3A_79 = arith.constant 0 : i32
      %dma_start3A_80 = tpu.memref_slice %arg3[%add3A, %dma_start3A_78, %dma_start3A_79] : memref<32x80x128xi32, #tpu.memory_space<hbm>> -> memref<1x80x128xi32, #tpu.memory_space<hbm>>
      %dma_start3A_81 = tpu.memref_squeeze %dma_start3A_80 : memref<1x80x128xi32, #tpu.memory_space<hbm>> -> memref<80x128xi32, #tpu.memory_space<hbm>>
      %dma_start3A_82 = arith.constant 40 : i32
      %dma_start3A_83 = arith.constant 0 : i32
      %dma_start3A_84 = tpu.memref_slice %dma_start3A_81[%dma_start3A_82, %dma_start3A_83] : memref<80x128xi32, #tpu.memory_space<hbm>> -> memref<40x128xi32, #tpu.memory_space<hbm>>
      tpu.enqueue_dma source(%dma_start3A_84 : memref<40x128xi32, #tpu.memory_space<hbm>>) target(%arg7 : memref<40x128xi32, #tpu.memory_space<vmem>>) target_semaphore(%run_scoped3A : memref<!tpu.dma_semaphore, #tpu.memory_space<semaphore_mem>>)
      %dma_wait3A_85 = arith.constant 0 : i32
      %dma_wait3A_86 = arith.constant 0 : i32
      %dma_wait3A_87 = tpu.memref_slice %arg3[%add3A, %dma_wait3A_85, %dma_wait3A_86] : memref<32x80x128xi32, #tpu.memory_space<hbm>> -> memref<1x80x128xi32, #tpu.memory_space<hbm>>
      %dma_wait3A_88 = tpu.memref_squeeze %dma_wait3A_87 : memref<1x80x128xi32, #tpu.memory_space<hbm>> -> memref<80x128xi32, #tpu.memory_space<hbm>>
      %dma_wait3A_89 = arith.constant 40 : i32
      %dma_wait3A_90 = arith.constant 0 : i32
      %dma_wait3A_91 = tpu.memref_slice %dma_wait3A_88[%dma_wait3A_89, %dma_wait3A_90] : memref<80x128xi32, #tpu.memory_space<hbm>> -> memref<40x128xi32, #tpu.memory_space<hbm>>
      %dma_wait3A_92 = arith.constant 0 : i32
      %dma_wait3A_93 = arith.constant 0 : i32
      %dma_wait3A_94 = tpu.memref_slice %arg3[%add3A, %dma_wait3A_92, %dma_wait3A_93] : memref<32x80x128xi32, #tpu.memory_space<hbm>> -> memref<1x80x128xi32, #tpu.memory_space<hbm>>
      %dma_wait3A_95 = tpu.memref_squeeze %dma_wait3A_94 : memref<1x80x128xi32, #tpu.memory_space<hbm>> -> memref<80x128xi32, #tpu.memory_space<hbm>>
      %dma_wait3A_96 = arith.constant 40 : i32
      %dma_wait3A_97 = arith.constant 0 : i32
      %dma_wait3A_98 = tpu.memref_slice %dma_wait3A_95[%dma_wait3A_96, %dma_wait3A_97] : memref<80x128xi32, #tpu.memory_space<hbm>> -> memref<40x128xi32, #tpu.memory_space<hbm>>
      tpu.wait_dma2 semaphore(%run_scoped3A : memref<!tpu.dma_semaphore, #tpu.memory_space<semaphore_mem>>) src(%dma_wait3A_98 : memref<40x128xi32, #tpu.memory_space<hbm>>) dst(%arg7 : memref<40x128xi32, #tpu.memory_space<vmem>>)
      tpu.yield
    }) : () -> ()
    "tpu.region"() ({
      %run_scoped3A = tpu.sem_alloc : memref<!tpu.dma_semaphore, #tpu.memory_space<semaphore_mem>>
      %dma_start3A_71 = arith.constant 0 : i32
      %dma_start3A_72 = arith.constant 0 : i32
      %dma_start3A_73 = tpu.memref_slice %arg4[%add3A, %dma_start3A_71, %dma_start3A_72] : memref<32x80x128xi32, #tpu.memory_space<hbm>> -> memref<1x80x128xi32, #tpu.memory_space<hbm>>
      %dma_start3A_74 = tpu.memref_squeeze %dma_start3A_73 : memref<1x80x128xi32, #tpu.memory_space<hbm>> -> memref<80x128xi32, #tpu.memory_space<hbm>>
      %dma_start3A_75 = arith.constant 40 : i32
      %dma_start3A_76 = arith.constant 0 : i32
      %dma_start3A_77 = tpu.memref_slice %dma_start3A_74[%dma_start3A_75, %dma_start3A_76] : memref<80x128xi32, #tpu.memory_space<hbm>> -> memref<40x128xi32, #tpu.memory_space<hbm>>
      %dma_start3A_78 = arith.constant 0 : i32
      %dma_start3A_79 = arith.constant 0 : i32
      %dma_start3A_80 = tpu.memref_slice %arg4[%add3A, %dma_start3A_78, %dma_start3A_79] : memref<32x80x128xi32, #tpu.memory_space<hbm>> -> memref<1x80x128xi32, #tpu.memory_space<hbm>>
      %dma_start3A_81 = tpu.memref_squeeze %dma_start3A_80 : memref<1x80x128xi32, #tpu.memory_space<hbm>> -> memref<80x128xi32, #tpu.memory_space<hbm>>
      %dma_start3A_82 = arith.constant 40 : i32
      %dma_start3A_83 = arith.constant 0 : i32
      %dma_start3A_84 = tpu.memref_slice %dma_start3A_81[%dma_start3A_82, %dma_start3A_83] : memref<80x128xi32, #tpu.memory_space<hbm>> -> memref<40x128xi32, #tpu.memory_space<hbm>>
      tpu.enqueue_dma source(%dma_start3A_84 : memref<40x128xi32, #tpu.memory_space<hbm>>) target(%arg8 : memref<40x128xi32, #tpu.memory_space<vmem>>) target_semaphore(%run_scoped3A : memref<!tpu.dma_semaphore, #tpu.memory_space<semaphore_mem>>)
      %dma_wait3A_85 = arith.constant 0 : i32
      %dma_wait3A_86 = arith.constant 0 : i32
      %dma_wait3A_87 = tpu.memref_slice %arg4[%add3A, %dma_wait3A_85, %dma_wait3A_86] : memref<32x80x128xi32, #tpu.memory_space<hbm>> -> memref<1x80x128xi32, #tpu.memory_space<hbm>>
      %dma_wait3A_88 = tpu.memref_squeeze %dma_wait3A_87 : memref<1x80x128xi32, #tpu.memory_space<hbm>> -> memref<80x128xi32, #tpu.memory_space<hbm>>
      %dma_wait3A_89 = arith.constant 40 : i32
      %dma_wait3A_90 = arith.constant 0 : i32
      %dma_wait3A_91 = tpu.memref_slice %dma_wait3A_88[%dma_wait3A_89, %dma_wait3A_90] : memref<80x128xi32, #tpu.memory_space<hbm>> -> memref<40x128xi32, #tpu.memory_space<hbm>>
      %dma_wait3A_92 = arith.constant 0 : i32
      %dma_wait3A_93 = arith.constant 0 : i32
      %dma_wait3A_94 = tpu.memref_slice %arg4[%add3A, %dma_wait3A_92, %dma_wait3A_93] : memref<32x80x128xi32, #tpu.memory_space<hbm>> -> memref<1x80x128xi32, #tpu.memory_space<hbm>>
      %dma_wait3A_95 = tpu.memref_squeeze %dma_wait3A_94 : memref<1x80x128xi32, #tpu.memory_space<hbm>> -> memref<80x128xi32, #tpu.memory_space<hbm>>
      %dma_wait3A_96 = arith.constant 40 : i32
      %dma_wait3A_97 = arith.constant 0 : i32
      %dma_wait3A_98 = tpu.memref_slice %dma_wait3A_95[%dma_wait3A_96, %dma_wait3A_97] : memref<80x128xi32, #tpu.memory_space<hbm>> -> memref<40x128xi32, #tpu.memory_space<hbm>>
      tpu.wait_dma2 semaphore(%run_scoped3A : memref<!tpu.dma_semaphore, #tpu.memory_space<semaphore_mem>>) src(%dma_wait3A_98 : memref<40x128xi32, #tpu.memory_space<hbm>>) dst(%arg8 : memref<40x128xi32, #tpu.memory_space<vmem>>)
      tpu.yield
    }) : () -> ()
    %dma_start3A_34 = arith.constant 0 : i32
    %dma_start3A_35 = arith.constant 0 : i32
    %dma_start3A_36 = tpu.memref_slice %arg7[%dma_start3A_34, %dma_start3A_35] : memref<40x128xi32, #tpu.memory_space<vmem>> -> memref<1x128xi32, #tpu.memory_space<vmem>>
    %dma_start3A_37 = tpu.memref_squeeze %dma_start3A_36 : memref<1x128xi32, #tpu.memory_space<vmem>> -> memref<128xi32, #tpu.memory_space<vmem>>
    %dma_start3A_38 = arith.constant 0 : i32
    %dma_start3A_39 = arith.constant 0 : i32
    %dma_start3A_40 = tpu.memref_slice %arg2[%dma_start3A_38, %dma_start3A_39] : memref<10000x128xf32, #tpu.memory_space<hbm>> -> memref<10000x128xf32, #tpu.memory_space<hbm>>
    tpu.enqueue_indirect_dma source(%dma_start3A_40 : memref<10000x128xf32, #tpu.memory_space<hbm>>) target(%arg9 : memref<128x128xf32, #tpu.memory_space<vmem>>) offsets(%dma_start3A_37 : memref<128xi32, #tpu.memory_space<vmem>>) semaphore(%arg12 : memref<!tpu.dma_semaphore, #tpu.memory_space<semaphore_mem>>)
    %dma_start3A_41 = arith.constant 1 : i32
    %dma_start3A_42 = arith.constant 0 : i32
    %dma_start3A_43 = tpu.memref_slice %arg7[%dma_start3A_41, %dma_start3A_42] : memref<40x128xi32, #tpu.memory_space<vmem>> -> memref<1x128xi32, #tpu.memory_space<vmem>>
    %dma_start3A_44 = tpu.memref_squeeze %dma_start3A_43 : memref<1x128xi32, #tpu.memory_space<vmem>> -> memref<128xi32, #tpu.memory_space<vmem>>
    %dma_start3A_45 = arith.constant 0 : i32
    %dma_start3A_46 = arith.constant 0 : i32
    %dma_start3A_47 = tpu.memref_slice %arg2[%dma_start3A_45, %dma_start3A_46] : memref<10000x128xf32, #tpu.memory_space<hbm>> -> memref<10000x128xf32, #tpu.memory_space<hbm>>
    tpu.enqueue_indirect_dma source(%dma_start3A_47 : memref<10000x128xf32, #tpu.memory_space<hbm>>) target(%arg10 : memref<128x128xf32, #tpu.memory_space<vmem>>) offsets(%dma_start3A_44 : memref<128xi32, #tpu.memory_space<vmem>>) semaphore(%arg13 : memref<!tpu.dma_semaphore, #tpu.memory_space<semaphore_mem>>)
    %scan3A_48 = arith.constant 0 : i32
    %scan3A_49 = arith.constant 20 : i32
    %scan3A_50 = arith.addi %scan3A_48, %scan3A_49 : i32
    %scan3A_51 = arith.constant 1 : i32
    scf.for %scan3A_71 = %scan3A_48 to %scan3A_50 step %scan3A_51  : i32 {
      %mul3A_72 = arith.constant 2 : i32
      %mul3A_73 = arith.muli %scan3A_71, %mul3A_72 : i32
      %add3A_74 = arith.constant 0 : i32
      %add3A_75 = arith.addi %add3A_74, %mul3A_73 : i32
      %gt3A = arith.constant 0 : i32
      %gt3A_76 = arith.cmpi sgt, %add3A_75, %gt3A : i32
      %convert_element_type3A = arith.extui %gt3A_76 : i1 to i32
      %cond3A = arith.constant 0 : i32
      %cond3A_77 = arith.cmpi ne, %convert_element_type3A, %cond3A : i32
      scf.if %cond3A_77 {
        %sub3A = arith.constant 1 : i32
        %sub3A_118 = arith.subi %add3A_75, %sub3A : i32
        %dma_wait3A_119 = arith.constant 0 : i32
        %dma_wait3A_120 = tpu.memref_slice %arg8[%sub3A_118, %dma_wait3A_119] : memref<40x128xi32, #tpu.memory_space<vmem>> -> memref<1x128xi32, #tpu.memory_space<vmem>>
        %dma_wait3A_121 = tpu.memref_squeeze %dma_wait3A_120 : memref<1x128xi32, #tpu.memory_space<vmem>> -> memref<128xi32, #tpu.memory_space<vmem>>
        %dma_wait3A_122 = arith.constant 0 : i32
        %dma_wait3A_123 = arith.constant 0 : i32
        %dma_wait3A_124 = tpu.memref_slice %arg11[%dma_wait3A_122, %dma_wait3A_123] : memref<10240x128xf32, #tpu.memory_space<vmem_shared>> -> memref<10240x128xf32, #tpu.memory_space<vmem_shared>>
        tpu.wait_indirect_dma semaphore(%arg15 : memref<!tpu.dma_semaphore, #tpu.memory_space<semaphore_mem>>) src(%arg10 : memref<128x128xf32, #tpu.memory_space<vmem>>) dst(%dma_wait3A_124 : memref<10240x128xf32, #tpu.memory_space<vmem_shared>>)
        %add3A_125 = arith.constant 1 : i32
        %add3A_126 = arith.addi %add3A_75, %add3A_125 : i32
        %dma_start3A_127 = arith.constant 0 : i32
        %dma_start3A_128 = tpu.memref_slice %arg7[%add3A_126, %dma_start3A_127] : memref<40x128xi32, #tpu.memory_space<vmem>> -> memref<1x128xi32, #tpu.memory_space<vmem>>
        %dma_start3A_129 = tpu.memref_squeeze %dma_start3A_128 : memref<1x128xi32, #tpu.memory_space<vmem>> -> memref<128xi32, #tpu.memory_space<vmem>>
        %dma_start3A_130 = arith.constant 0 : i32
        %dma_start3A_131 = arith.constant 0 : i32
        %dma_start3A_132 = tpu.memref_slice %arg2[%dma_start3A_130, %dma_start3A_131] : memref<10000x128xf32, #tpu.memory_space<hbm>> -> memref<10000x128xf32, #tpu.memory_space<hbm>>
        tpu.enqueue_indirect_dma source(%dma_start3A_132 : memref<10000x128xf32, #tpu.memory_space<hbm>>) target(%arg10 : memref<128x128xf32, #tpu.memory_space<vmem>>) offsets(%dma_start3A_129 : memref<128xi32, #tpu.memory_space<vmem>>) semaphore(%arg13 : memref<!tpu.dma_semaphore, #tpu.memory_space<semaphore_mem>>)
      } else {
      }
      %dma_wait3A_78 = arith.constant 0 : i32
      %dma_wait3A_79 = tpu.memref_slice %arg7[%add3A_75, %dma_wait3A_78] : memref<40x128xi32, #tpu.memory_space<vmem>> -> memref<1x128xi32, #tpu.memory_space<vmem>>
      %dma_wait3A_80 = tpu.memref_squeeze %dma_wait3A_79 : memref<1x128xi32, #tpu.memory_space<vmem>> -> memref<128xi32, #tpu.memory_space<vmem>>
      %dma_wait3A_81 = arith.constant 0 : i32
      %dma_wait3A_82 = arith.constant 0 : i32
      %dma_wait3A_83 = tpu.memref_slice %arg2[%dma_wait3A_81, %dma_wait3A_82] : memref<10000x128xf32, #tpu.memory_space<hbm>> -> memref<10000x128xf32, #tpu.memory_space<hbm>>
      tpu.wait_indirect_dma semaphore(%arg12 : memref<!tpu.dma_semaphore, #tpu.memory_space<semaphore_mem>>) src(%dma_wait3A_83 : memref<10000x128xf32, #tpu.memory_space<hbm>>) dst(%arg9 : memref<128x128xf32, #tpu.memory_space<vmem>>)
      %dma_start3A_84 = arith.constant 0 : i32
      %dma_start3A_85 = tpu.memref_slice %arg8[%add3A_75, %dma_start3A_84] : memref<40x128xi32, #tpu.memory_space<vmem>> -> memref<1x128xi32, #tpu.memory_space<vmem>>
      %dma_start3A_86 = tpu.memref_squeeze %dma_start3A_85 : memref<1x128xi32, #tpu.memory_space<vmem>> -> memref<128xi32, #tpu.memory_space<vmem>>
      %dma_start3A_87 = arith.constant 0 : i32
      %dma_start3A_88 = arith.constant 0 : i32
      %dma_start3A_89 = tpu.memref_slice %arg11[%dma_start3A_87, %dma_start3A_88] : memref<10240x128xf32, #tpu.memory_space<vmem_shared>> -> memref<10240x128xf32, #tpu.memory_space<vmem_shared>>
      tpu.enqueue_indirect_dma source(%arg9 : memref<128x128xf32, #tpu.memory_space<vmem>>) target(%dma_start3A_89 : memref<10240x128xf32, #tpu.memory_space<vmem_shared>>) offsets(%dma_start3A_86 : memref<128xi32, #tpu.memory_space<vmem>>) semaphore(%arg14 : memref<!tpu.dma_semaphore, #tpu.memory_space<semaphore_mem>>) {add = true}
      %dma_wait3A_90 = arith.constant 0 : i32
      %dma_wait3A_91 = tpu.memref_slice %arg8[%add3A_75, %dma_wait3A_90] : memref<40x128xi32, #tpu.memory_space<vmem>> -> memref<1x128xi32, #tpu.memory_space<vmem>>
      %dma_wait3A_92 = tpu.memref_squeeze %dma_wait3A_91 : memref<1x128xi32, #tpu.memory_space<vmem>> -> memref<128xi32, #tpu.memory_space<vmem>>
      %dma_wait3A_93 = arith.constant 0 : i32
      %dma_wait3A_94 = arith.constant 0 : i32
      %dma_wait3A_95 = tpu.memref_slice %arg11[%dma_wait3A_93, %dma_wait3A_94] : memref<10240x128xf32, #tpu.memory_space<vmem_shared>> -> memref<10240x128xf32, #tpu.memory_space<vmem_shared>>
      tpu.wait_indirect_dma semaphore(%arg14 : memref<!tpu.dma_semaphore, #tpu.memory_space<semaphore_mem>>) src(%arg9 : memref<128x128xf32, #tpu.memory_space<vmem>>) dst(%dma_wait3A_95 : memref<10240x128xf32, #tpu.memory_space<vmem_shared>>)
      %add3A_96 = arith.constant 2 : i32
      %add3A_97 = arith.addi %add3A_75, %add3A_96 : i32
      %lt3A = arith.constant 40 : i32
      %lt3A_98 = arith.cmpi slt, %add3A_97, %lt3A : i32
      %convert_element_type3A_99 = arith.extui %lt3A_98 : i1 to i32
      %cond3A_100 = arith.constant 0 : i32
      %cond3A_101 = arith.cmpi ne, %convert_element_type3A_99, %cond3A_100 : i32
      scf.if %cond3A_101 {
        %add3A_118 = arith.constant 2 : i32
        %add3A_119 = arith.addi %add3A_75, %add3A_118 : i32
        %dma_start3A_120 = arith.constant 0 : i32
        %dma_start3A_121 = tpu.memref_slice %arg7[%add3A_119, %dma_start3A_120] : memref<40x128xi32, #tpu.memory_space<vmem>> -> memref<1x128xi32, #tpu.memory_space<vmem>>
        %dma_start3A_122 = tpu.memref_squeeze %dma_start3A_121 : memref<1x128xi32, #tpu.memory_space<vmem>> -> memref<128xi32, #tpu.memory_space<vmem>>
        %dma_start3A_123 = arith.constant 0 : i32
        %dma_start3A_124 = arith.constant 0 : i32
        %dma_start3A_125 = tpu.memref_slice %arg2[%dma_start3A_123, %dma_start3A_124] : memref<10000x128xf32, #tpu.memory_space<hbm>> -> memref<10000x128xf32, #tpu.memory_space<hbm>>
        tpu.enqueue_indirect_dma source(%dma_start3A_125 : memref<10000x128xf32, #tpu.memory_space<hbm>>) target(%arg9 : memref<128x128xf32, #tpu.memory_space<vmem>>) offsets(%dma_start3A_122 : memref<128xi32, #tpu.memory_space<vmem>>) semaphore(%arg12 : memref<!tpu.dma_semaphore, #tpu.memory_space<semaphore_mem>>)
      } else {
      }
      %add3A_102 = arith.constant 1 : i32
      %add3A_103 = arith.addi %add3A_75, %add3A_102 : i32
      %dma_wait3A_104 = arith.constant 0 : i32
      %dma_wait3A_105 = tpu.memref_slice %arg7[%add3A_103, %dma_wait3A_104] : memref<40x128xi32, #tpu.memory_space<vmem>> -> memref<1x128xi32, #tpu.memory_space<vmem>>
      %dma_wait3A_106 = tpu.memref_squeeze %dma_wait3A_105 : memref<1x128xi32, #tpu.memory_space<vmem>> -> memref<128xi32, #tpu.memory_space<vmem>>
      %dma_wait3A_107 = arith.constant 0 : i32
      %dma_wait3A_108 = arith.constant 0 : i32
      %dma_wait3A_109 = tpu.memref_slice %arg2[%dma_wait3A_107, %dma_wait3A_108] : memref<10000x128xf32, #tpu.memory_space<hbm>> -> memref<10000x128xf32, #tpu.memory_space<hbm>>
      tpu.wait_indirect_dma semaphore(%arg13 : memref<!tpu.dma_semaphore, #tpu.memory_space<semaphore_mem>>) src(%dma_wait3A_109 : memref<10000x128xf32, #tpu.memory_space<hbm>>) dst(%arg10 : memref<128x128xf32, #tpu.memory_space<vmem>>)
      %add3A_110 = arith.constant 1 : i32
      %add3A_111 = arith.addi %add3A_75, %add3A_110 : i32
      %dma_start3A_112 = arith.constant 0 : i32
      %dma_start3A_113 = tpu.memref_slice %arg8[%add3A_111, %dma_start3A_112] : memref<40x128xi32, #tpu.memory_space<vmem>> -> memref<1x128xi32, #tpu.memory_space<vmem>>
      %dma_start3A_114 = tpu.memref_squeeze %dma_start3A_113 : memref<1x128xi32, #tpu.memory_space<vmem>> -> memref<128xi32, #tpu.memory_space<vmem>>
      %dma_start3A_115 = arith.constant 0 : i32
      %dma_start3A_116 = arith.constant 0 : i32
      %dma_start3A_117 = tpu.memref_slice %arg11[%dma_start3A_115, %dma_start3A_116] : memref<10240x128xf32, #tpu.memory_space<vmem_shared>> -> memref<10240x128xf32, #tpu.memory_space<vmem_shared>>
      tpu.enqueue_indirect_dma source(%arg10 : memref<128x128xf32, #tpu.memory_space<vmem>>) target(%dma_start3A_117 : memref<10240x128xf32, #tpu.memory_space<vmem_shared>>) offsets(%dma_start3A_114 : memref<128xi32, #tpu.memory_space<vmem>>) semaphore(%arg15 : memref<!tpu.dma_semaphore, #tpu.memory_space<semaphore_mem>>) {add = true}
    }
    %scan3A_52 = arith.constant 20 : i32
    %dma_wait3A_53 = arith.constant 39 : i32
    %dma_wait3A_54 = arith.constant 0 : i32
    %dma_wait3A_55 = tpu.memref_slice %arg8[%dma_wait3A_53, %dma_wait3A_54] : memref<40x128xi32, #tpu.memory_space<vmem>> -> memref<1x128xi32, #tpu.memory_space<vmem>>
    %dma_wait3A_56 = tpu.memref_squeeze %dma_wait3A_55 : memref<1x128xi32, #tpu.memory_space<vmem>> -> memref<128xi32, #tpu.memory_space<vmem>>
    %dma_wait3A_57 = arith.constant 0 : i32
    %dma_wait3A_58 = arith.constant 0 : i32
    %dma_wait3A_59 = tpu.memref_slice %arg11[%dma_wait3A_57, %dma_wait3A_58] : memref<10240x128xf32, #tpu.memory_space<vmem_shared>> -> memref<10240x128xf32, #tpu.memory_space<vmem_shared>>
    tpu.wait_indirect_dma semaphore(%arg15 : memref<!tpu.dma_semaphore, #tpu.memory_space<semaphore_mem>>) src(%arg10 : memref<128x128xf32, #tpu.memory_space<vmem>>) dst(%dma_wait3A_59 : memref<10240x128xf32, #tpu.memory_space<vmem_shared>>)
    %barrier3A_60 = arith.constant 0 : index
    tpu.barrier barrier_id(%barrier3A_60)
    %scan3A_61 = arith.constant 0 : i32
    %scan3A_62 = arith.constant 5 : i32
    %scan3A_63 = arith.addi %scan3A_61, %scan3A_62 : i32
    %scan3A_64 = arith.constant 1 : i32
    scf.for %scan3A_71 = %scan3A_61 to %scan3A_63 step %scan3A_64  : i32 {
      %mul3A_72 = arith.constant 1 : i32
      %mul3A_73 = arith.muli %scan3A_71, %mul3A_72 : i32
      %add3A_74 = arith.constant 0 : i32
      %add3A_75 = arith.addi %add3A_74, %mul3A_73 : i32
      %mul3A_76 = arith.constant 640 : i32
      %mul3A_77 = arith.muli %arg1, %mul3A_76 : i32
      %mul3A_78 = arith.constant 128 : i32
      %mul3A_79 = arith.muli %add3A_75, %mul3A_78 : i32
      %add3A_80 = arith.addi %mul3A_77, %mul3A_79 : i32
      %dma_start3A_81 = arith.constant 0 : i32
      %dma_start3A_82 = arith.constant 0 : i32
      %dma_start3A_83 = tpu.memref_slice %arg6[%arg0, %dma_start3A_81, %dma_start3A_82] : memref<2x10240x128xf32, #tpu.memory_space<hbm>> -> memref<1x10240x128xf32, #tpu.memory_space<hbm>>
      %dma_start3A_84 = tpu.memref_squeeze %dma_start3A_83 : memref<1x10240x128xf32, #tpu.memory_space<hbm>> -> memref<10240x128xf32, #tpu.memory_space<hbm>>
      %dma_start3A_85 = arith.constant 0 : i32
      %dma_start3A_86 = tpu.memref_slice %dma_start3A_84[%add3A_80, %dma_start3A_85] : memref<10240x128xf32, #tpu.memory_space<hbm>> -> memref<128x128xf32, #tpu.memory_space<hbm>>
      %dma_start3A_87 = arith.constant 0 : i32
      %dma_start3A_88 = tpu.memref_slice %arg11[%add3A_80, %dma_start3A_87] : memref<10240x128xf32, #tpu.memory_space<vmem_shared>> -> memref<128x128xf32, #tpu.memory_space<vmem_shared>>
      tpu.enqueue_dma source(%dma_start3A_88 : memref<128x128xf32, #tpu.memory_space<vmem_shared>>) target(%dma_start3A_86 : memref<128x128xf32, #tpu.memory_space<hbm>>) target_semaphore(%arg12 : memref<!tpu.dma_semaphore, #tpu.memory_space<semaphore_mem>>)
    }
    %scan3A_65 = arith.constant 5 : i32
    %scan3A_66 = arith.constant 0 : i32
    %scan3A_67 = arith.constant 5 : i32
    %scan3A_68 = arith.addi %scan3A_66, %scan3A_67 : i32
    %scan3A_69 = arith.constant 1 : i32
    scf.for %scan3A_71 = %scan3A_66 to %scan3A_68 step %scan3A_69  : i32 {
      %mul3A_72 = arith.constant 1 : i32
      %mul3A_73 = arith.muli %scan3A_71, %mul3A_72 : i32
      %add3A_74 = arith.constant 0 : i32
      %add3A_75 = arith.addi %add3A_74, %mul3A_73 : i32
      %mul3A_76 = arith.constant 640 : i32
      %mul3A_77 = arith.muli %arg1, %mul3A_76 : i32
      %mul3A_78 = arith.constant 128 : i32
      %mul3A_79 = arith.muli %add3A_75, %mul3A_78 : i32
      %add3A_80 = arith.addi %mul3A_77, %mul3A_79 : i32
      %dma_wait3A_81 = arith.constant 0 : i32
      %dma_wait3A_82 = arith.constant 0 : i32
      %dma_wait3A_83 = tpu.memref_slice %arg6[%arg0, %dma_wait3A_81, %dma_wait3A_82] : memref<2x10240x128xf32, #tpu.memory_space<hbm>> -> memref<1x10240x128xf32, #tpu.memory_space<hbm>>
      %dma_wait3A_84 = tpu.memref_squeeze %dma_wait3A_83 : memref<1x10240x128xf32, #tpu.memory_space<hbm>> -> memref<10240x128xf32, #tpu.memory_space<hbm>>
      %dma_wait3A_85 = arith.constant 0 : i32
      %dma_wait3A_86 = tpu.memref_slice %dma_wait3A_84[%add3A_80, %dma_wait3A_85] : memref<10240x128xf32, #tpu.memory_space<hbm>> -> memref<128x128xf32, #tpu.memory_space<hbm>>
      %dma_wait3A_87 = arith.constant 0 : i32
      %dma_wait3A_88 = tpu.memref_slice %arg11[%add3A_80, %dma_wait3A_87] : memref<10240x128xf32, #tpu.memory_space<vmem_shared>> -> memref<128x128xf32, #tpu.memory_space<vmem_shared>>
      tpu.wait_dma2 semaphore(%arg12 : memref<!tpu.dma_semaphore, #tpu.memory_space<semaphore_mem>>) src(%dma_wait3A_88 : memref<128x128xf32, #tpu.memory_space<vmem_shared>>) dst(%dma_wait3A_86 : memref<128x128xf32, #tpu.memory_space<hbm>>)
    }
    %scan3A_70 = arith.constant 5 : i32
    return
  }
}

module attributes {stable_mosaic.version = 14 : i64} {
  func.func @_epilogue_body(%arg0: i32, %arg1: memref<2x2000x128xf32, #tpu.memory_space<vmem>>, %arg2: memref<2000x1xf32, #tpu.memory_space<vmem>>, %arg3: memref<2000x128xf32, #tpu.memory_space<vmem>>, %arg4: memref<128x128xf32, #tpu.memory_space<vmem>>, %arg5: memref<128x128xf32, #tpu.memory_space<vmem>>, %arg6: memref<1x128xf32, #tpu.memory_space<vmem>>, %arg7: memref<2000x128xf32, #tpu.memory_space<vmem>>) attributes {dimension_semantics = [#tpu.dimension_semantics<arbitrary>], iteration_bounds = array<i64: 5>, scalar_prefetch = 0 : i64, scratch_operands = 0 : i64, tpu.core_type = #tpu.core_type<tc>, window_params = [{transform_indices = @transform_0, window_bounds = array<i64: 2, 2000, 128>}, {transform_indices = @transform_1, window_bounds = array<i64: 2000, 1>}, {transform_indices = @transform_2, window_bounds = array<i64: 2000, 128>}, {pipeline_mode = #tpu.pipeline_mode<synchronous>, transform_indices = @transform_3, window_bounds = array<i64: 128, 128>}, {pipeline_mode = #tpu.pipeline_mode<synchronous>, transform_indices = @transform_4, window_bounds = array<i64: 128, 128>}, {pipeline_mode = #tpu.pipeline_mode<synchronous>, transform_indices = @transform_5, window_bounds = array<i64: 1, 128>}, {transform_indices = @transform_6, window_bounds = array<i64: 2000, 128>}]} {
    %get3A = arith.constant 0 : index
    %get3A_0 = arith.constant 0 : index
    %get3A_1 = arith.constant 0 : index
    %get3A_2 = vector.load %arg1[%get3A, %get3A_0, %get3A_1] : memref<2x2000x128xf32, #tpu.memory_space<vmem>>, vector<1x2000x128xf32>
    %get3A_3 = vector.shape_cast %get3A_2 : vector<1x2000x128xf32> to vector<2000x128xf32>
    %get3A_4 = arith.constant 1 : index
    %get3A_5 = arith.constant 0 : index
    %get3A_6 = arith.constant 0 : index
    %get3A_7 = vector.load %arg1[%get3A_4, %get3A_5, %get3A_6] : memref<2x2000x128xf32, #tpu.memory_space<vmem>>, vector<1x2000x128xf32>
    %get3A_8 = vector.shape_cast %get3A_7 : vector<1x2000x128xf32> to vector<2000x128xf32>
    %add3A = arith.addf %get3A_3, %get3A_8 : vector<2000x128xf32>
    %get3A_9 = arith.constant 0 : index
    %get3A_10 = arith.constant 0 : index
    %get3A_11 = vector.load %arg2[%get3A_9, %get3A_10] : memref<2000x1xf32, #tpu.memory_space<vmem>>, vector<2000x1xf32>
    %mul3A = vector.broadcast %get3A_11 : vector<2000x1xf32> to vector<2000x128xf32>
    %mul3A_12 = arith.mulf %mul3A, %add3A : vector<2000x128xf32>
    %get3A_13 = arith.constant 0 : index
    %get3A_14 = arith.constant 0 : index
    %get3A_15 = vector.load %arg3[%get3A_13, %get3A_14] : memref<2000x128xf32, #tpu.memory_space<vmem>>, vector<2000x128xf32>
    %mul3A_16 = arith.mulf %get3A_15, %mul3A_12 : vector<2000x128xf32>
    %get3A_17 = arith.constant 0 : index
    %get3A_18 = arith.constant 0 : index
    %get3A_19 = vector.load %arg4[%get3A_17, %get3A_18] : memref<128x128xf32, #tpu.memory_space<vmem>>, vector<128x128xf32>
    %dot_general3A = arith.constant dense<0.000000e+00> : vector<2000x128xf32>
    %dot_general3A_20 = tpu.matmul %mul3A_12, %get3A_19, %dot_general3A {dimension_numbers = #tpu.dot_dimension_numbers<[1], [1], [0], [0], [0, 0, 1, 0], [], []>, transpose_lhs_hint = false} : vector<2000x128xf32>, vector<128x128xf32>, vector<2000x128xf32> -> vector<2000x128xf32>
    %get3A_21 = arith.constant 0 : index
    %get3A_22 = arith.constant 0 : index
    %get3A_23 = vector.load %arg5[%get3A_21, %get3A_22] : memref<128x128xf32, #tpu.memory_space<vmem>>, vector<128x128xf32>
    %dot_general3A_24 = arith.constant dense<0.000000e+00> : vector<2000x128xf32>
    %dot_general3A_25 = tpu.matmul %mul3A_16, %get3A_23, %dot_general3A_24 {dimension_numbers = #tpu.dot_dimension_numbers<[1], [1], [0], [0], [0, 0, 1, 0], [], []>, transpose_lhs_hint = false} : vector<2000x128xf32>, vector<128x128xf32>, vector<2000x128xf32> -> vector<2000x128xf32>
    %add3A_26 = arith.addf %dot_general3A_20, %dot_general3A_25 : vector<2000x128xf32>
    %get3A_27 = arith.constant 0 : index
    %get3A_28 = arith.constant 0 : index
    %get3A_29 = vector.load %arg6[%get3A_27, %get3A_28] : memref<1x128xf32, #tpu.memory_space<vmem>>, vector<1x128xf32>
    %add3A_30 = vector.broadcast %get3A_29 : vector<1x128xf32> to vector<2000x128xf32>
    %add3A_31 = arith.addf %add3A_26, %add3A_30 : vector<2000x128xf32>
    %swap3A = arith.constant 0 : index
    %swap3A_32 = arith.constant 0 : index
    %swap3A_33 = vector.load %arg7[%swap3A, %swap3A_32] : memref<2000x128xf32, #tpu.memory_space<vmem>>, vector<2000x128xf32>
    tpu.vector_store %arg7[%swap3A, %swap3A_32], %add3A_31 {strides = array<i32>} : memref<2000x128xf32, #tpu.memory_space<vmem>>, vector<2000x128xf32>,
    return
  }
  func.func @transform_0(%arg0: i32) -> (i32, i32, i32) {
    %c0_i32 = arith.constant 0 : i32
    %c0_i32_0 = arith.constant 0 : i32
    %c0_i32_1 = arith.constant 0 : i32
    return %c0_i32, %arg0, %c0_i32_0 : i32, i32, i32
  }
  func.func @transform_1(%arg0: i32) -> (i32, i32) {
    %c0_i32 = arith.constant 0 : i32
    %c0_i32_0 = arith.constant 0 : i32
    return %arg0, %c0_i32 : i32, i32
  }
  func.func @transform_2(%arg0: i32) -> (i32, i32) {
    %c0_i32 = arith.constant 0 : i32
    %c0_i32_0 = arith.constant 0 : i32
    return %arg0, %c0_i32 : i32, i32
  }
  func.func @transform_3(%arg0: i32) -> (i32, i32) {
    %c0_i32 = arith.constant 0 : i32
    %c0_i32_0 = arith.constant 0 : i32
    %c0_i32_1 = arith.constant 0 : i32
    return %c0_i32, %c0_i32_0 : i32, i32
  }
  func.func @transform_4(%arg0: i32) -> (i32, i32) {
    %c0_i32 = arith.constant 0 : i32
    %c0_i32_0 = arith.constant 0 : i32
    %c0_i32_1 = arith.constant 0 : i32
    return %c0_i32, %c0_i32_0 : i32, i32
  }
  func.func @transform_5(%arg0: i32) -> (i32, i32) {
    %c0_i32 = arith.constant 0 : i32
    %c0_i32_0 = arith.constant 0 : i32
    %c0_i32_1 = arith.constant 0 : i32
    return %c0_i32, %c0_i32_0 : i32, i32
  }
  func.func @transform_6(%arg0: i32) -> (i32, i32) {
    %c0_i32 = arith.constant 0 : i32
    %c0_i32_0 = arith.constant 0 : i32
    return %arg0, %c0_i32 : i32, i32
  }
}

module attributes {stable_mosaic.version = 14 : i64} {
  func.func @_scale_body(%arg0: i32, %arg1: memref<2000x128xf32, #tpu.memory_space<vmem>>, %arg2: memref<2000x1xf32, #tpu.memory_space<vmem>>, %arg3: memref<2x65536xi32, #tpu.memory_space<vmem>>, %arg4: memref<2000x128xf32, #tpu.memory_space<vmem>>, %arg5: memref<1x1x65536xi32, #tpu.memory_space<vmem>>, %arg6: memref<1x1x65536xi32, #tpu.memory_space<vmem>>) attributes {dimension_semantics = [#tpu.dimension_semantics<arbitrary>], iteration_bounds = array<i64: 5>, scalar_prefetch = 0 : i64, scratch_operands = 0 : i64, tpu.core_type = #tpu.core_type<tc>, window_params = [{transform_indices = @transform_0, window_bounds = array<i64: 2000, 128>}, {transform_indices = @transform_1, window_bounds = array<i64: 2000, 1>}, {transform_indices = @transform_2, window_bounds = array<i64: 2, 65536>}, {transform_indices = @transform_3, window_bounds = array<i64: 2000, 128>}, {transform_indices = @transform_4, window_bounds = array<i64: 1, 1, 65536>}, {transform_indices = @transform_5, window_bounds = array<i64: 1, 1, 65536>}]} {
    %get3A = arith.constant 0 : index
    %get3A_0 = arith.constant 0 : index
    %get3A_1 = vector.load %arg1[%get3A, %get3A_0] : memref<2000x128xf32, #tpu.memory_space<vmem>>, vector<2000x128xf32>
    %get3A_2 = arith.constant 0 : index
    %get3A_3 = arith.constant 0 : index
    %get3A_4 = vector.load %arg2[%get3A_2, %get3A_3] : memref<2000x1xf32, #tpu.memory_space<vmem>>, vector<2000x1xf32>
    %mul3A = vector.broadcast %get3A_4 : vector<2000x1xf32> to vector<2000x128xf32>
    %mul3A_5 = arith.mulf %get3A_1, %mul3A : vector<2000x128xf32>
    %swap3A = arith.constant 0 : index
    %swap3A_6 = arith.constant 0 : index
    %swap3A_7 = vector.load %arg4[%swap3A, %swap3A_6] : memref<2000x128xf32, #tpu.memory_space<vmem>>, vector<2000x128xf32>
    tpu.vector_store %arg4[%swap3A, %swap3A_6], %mul3A_5 {strides = array<i32>} : memref<2000x128xf32, #tpu.memory_space<vmem>>, vector<2000x128xf32>,
    %iota3A = tpu.iota {dimensions = array<i32: 1>} : vector<1x65536xi32>
    %mul3A_8 = arith.constant 65536 : i32
    %mul3A_9 = arith.muli %arg0, %mul3A_8 : i32
    %add3A = vector.broadcast %mul3A_9 : i32 to vector<1x65536xi32>
    %add3A_10 = arith.addi %iota3A, %add3A : vector<1x65536xi32>
    %sub3A = arith.constant 320000 : i32
    %sub3A_11 = vector.broadcast %sub3A : i32 to vector<1x65536xi32>
    %sub3A_12 = arith.subi %add3A_10, %sub3A_11 : vector<1x65536xi32>
    %lt3A = arith.constant 0 : i32
    %lt3A_13 = vector.broadcast %lt3A : i32 to vector<1x65536xi32>
    %lt3A_14 = arith.cmpi slt, %sub3A_12, %lt3A_13 : vector<1x65536xi32>
    %get3A_15 = arith.constant 0 : index
    %get3A_16 = arith.constant 0 : index
    %get3A_17 = vector.load %arg3[%get3A_15, %get3A_16] : memref<2x65536xi32, #tpu.memory_space<vmem>>, vector<1x65536xi32>
    %jit3A = arith.constant 10000 : i32
    %eq3A = arith.constant 0 : i32
    %eq3A_18 = arith.cmpi eq, %jit3A, %eq3A : i32
    %jit3A_19 = arith.constant 1 : i32
    %select_n3A = arith.select %eq3A_18, %jit3A_19, %jit3A : i32
    %rem3A = vector.broadcast %select_n3A : i32 to vector<1x65536xi32>
    %rem3A_20 = arith.remsi %sub3A_12, %rem3A : vector<1x65536xi32>
    %ne3A = arith.constant 0 : i32
    %ne3A_21 = vector.broadcast %ne3A : i32 to vector<1x65536xi32>
    %ne3A_22 = arith.cmpi ne, %rem3A_20, %ne3A_21 : vector<1x65536xi32>
    %lt3A_23 = arith.constant 0 : i32
    %lt3A_24 = vector.broadcast %lt3A_23 : i32 to vector<1x65536xi32>
    %lt3A_25 = arith.cmpi slt, %rem3A_20, %lt3A_24 : vector<1x65536xi32>
    %lt3A_26 = arith.constant 0 : i32
    %lt3A_27 = arith.cmpi slt, %select_n3A, %lt3A_26 : i32
    %ne3A_28 = vector.broadcast %lt3A_27 : i1 to vector<1x65536xi1>
    %ne3A_29 = vector.broadcast %ne3A_28 : vector<1x65536xi1> to vector<1x65536xi1>
    %ne3A_30 = arith.xori %lt3A_25, %ne3A_29 : vector<1x65536xi1>
    %and3A = arith.andi %ne3A_30, %ne3A_22 : vector<1x65536xi1>
    %add3A_31 = vector.broadcast %select_n3A : i32 to vector<1x65536xi32>
    %add3A_32 = arith.addi %rem3A_20, %add3A_31 : vector<1x65536xi32>
    %select_n3A_33 = arith.select %and3A, %add3A_32, %rem3A_20 : vector<1x65536xi1>, vector<1x65536xi32>
    %select_n3A_34 = arith.select %lt3A_14, %get3A_17, %select_n3A_33 : vector<1x65536xi1>, vector<1x65536xi32>
    %broadcast_in_dim3A = vector.shape_cast %select_n3A_34 : vector<1x65536xi32> to vector<1x1x65536xi32>
    %swap3A_35 = arith.constant 0 : index
    %swap3A_36 = arith.constant 0 : index
    %swap3A_37 = arith.constant 0 : index
    %swap3A_38 = vector.load %arg5[%swap3A_35, %swap3A_36, %swap3A_37] : memref<1x1x65536xi32, #tpu.memory_space<vmem>>, vector<1x1x65536xi32>
    tpu.vector_store %arg5[%swap3A_35, %swap3A_36, %swap3A_37], %broadcast_in_dim3A {strides = array<i32>} : memref<1x1x65536xi32, #tpu.memory_space<vmem>>, vector<1x1x65536xi32>,
    %get3A_39 = arith.constant 1 : index
    %get3A_40 = arith.constant 0 : index
    %get3A_41 = vector.load %arg3[%get3A_39, %get3A_40] : memref<2x65536xi32, #tpu.memory_space<vmem>>, vector<1x65536xi32>
    %jit3A_42 = arith.constant 240 : i32
    %eq3A_43 = arith.constant 0 : i32
    %eq3A_44 = arith.cmpi eq, %jit3A_42, %eq3A_43 : i32
    %jit3A_45 = arith.constant 1 : i32
    %select_n3A_46 = arith.select %eq3A_44, %jit3A_45, %jit3A_42 : i32
    %rem3A_47 = vector.broadcast %select_n3A_46 : i32 to vector<1x65536xi32>
    %rem3A_48 = arith.remsi %sub3A_12, %rem3A_47 : vector<1x65536xi32>
    %ne3A_49 = arith.constant 0 : i32
    %ne3A_50 = vector.broadcast %ne3A_49 : i32 to vector<1x65536xi32>
    %ne3A_51 = arith.cmpi ne, %rem3A_48, %ne3A_50 : vector<1x65536xi32>
    %lt3A_52 = arith.constant 0 : i32
    %lt3A_53 = vector.broadcast %lt3A_52 : i32 to vector<1x65536xi32>
    %lt3A_54 = arith.cmpi slt, %rem3A_48, %lt3A_53 : vector<1x65536xi32>
    %lt3A_55 = arith.constant 0 : i32
    %lt3A_56 = arith.cmpi slt, %select_n3A_46, %lt3A_55 : i32
    %ne3A_57 = vector.broadcast %lt3A_56 : i1 to vector<1x65536xi1>
    %ne3A_58 = vector.broadcast %ne3A_57 : vector<1x65536xi1> to vector<1x65536xi1>
    %ne3A_59 = arith.xori %lt3A_54, %ne3A_58 : vector<1x65536xi1>
    %and3A_60 = arith.andi %ne3A_59, %ne3A_51 : vector<1x65536xi1>
    %add3A_61 = vector.broadcast %select_n3A_46 : i32 to vector<1x65536xi32>
    %add3A_62 = arith.addi %rem3A_48, %add3A_61 : vector<1x65536xi32>
    %select_n3A_63 = arith.select %and3A_60, %add3A_62, %rem3A_48 : vector<1x65536xi1>, vector<1x65536xi32>
    %add3A_64 = arith.constant 10000 : i32
    %add3A_65 = vector.broadcast %add3A_64 : i32 to vector<1x65536xi32>
    %add3A_66 = arith.addi %add3A_65, %select_n3A_63 : vector<1x65536xi32>
    %select_n3A_67 = arith.select %lt3A_14, %get3A_41, %add3A_66 : vector<1x65536xi1>, vector<1x65536xi32>
    %broadcast_in_dim3A_68 = vector.shape_cast %select_n3A_67 : vector<1x65536xi32> to vector<1x1x65536xi32>
    %swap3A_69 = arith.constant 0 : index
    %swap3A_70 = arith.constant 0 : index
    %swap3A_71 = arith.constant 0 : index
    %swap3A_72 = vector.load %arg6[%swap3A_69, %swap3A_70, %swap3A_71] : memref<1x1x65536xi32, #tpu.memory_space<vmem>>, vector<1x1x65536xi32>
    tpu.vector_store %arg6[%swap3A_69, %swap3A_70, %swap3A_71], %broadcast_in_dim3A_68 {strides = array<i32>} : memref<1x1x65536xi32, #tpu.memory_space<vmem>>, vector<1x1x65536xi32>,
    return
  }
  func.func @transform_0(%arg0: i32) -> (i32, i32) {
    %c0_i32 = arith.constant 0 : i32
    %c0_i32_0 = arith.constant 0 : i32
    return %arg0, %c0_i32 : i32, i32
  }
  func.func @transform_1(%arg0: i32) -> (i32, i32) {
    %c0_i32 = arith.constant 0 : i32
    %c0_i32_0 = arith.constant 0 : i32
    return %arg0, %c0_i32 : i32, i32
  }
  func.func @transform_2(%arg0: i32) -> (i32, i32) {
    %c0_i32 = arith.constant 0 : i32
    %c0_i32_0 = arith.constant 0 : i32
    return %c0_i32, %arg0 : i32, i32
  }
  func.func @transform_3(%arg0: i32) -> (i32, i32) {
    %c0_i32 = arith.constant 0 : i32
    %c0_i32_0 = arith.constant 0 : i32
    return %arg0, %c0_i32 : i32, i32
  }
  func.func @transform_4(%arg0: i32) -> (i32, i32, i32) {
    %c0_i32 = arith.constant 0 : i32
    %c0_i32_0 = arith.constant 0 : i32
    %c0_i32_1 = arith.constant 0 : i32
    return %arg0, %c0_i32, %c0_i32_0 : i32, i32, i32
  }
  func.func @transform_5(%arg0: i32) -> (i32, i32, i32) {
    %c0_i32 = arith.constant 0 : i32
    %c0_i32_0 = arith.constant 0 : i32
    %c0_i32_1 = arith.constant 0 : i32
    return %arg0, %c0_i32, %c0_i32_0 : i32, i32, i32
  }
}

</mosaic_0001>

<sc_bundles>
// kernel: kernel.5.cloned.1.call-start
scs
__scs_entry_jumppad:
0x0: {  	(pc) =	sbr.rel $0x88, $3  }
0x1: {  	(tag) =	ssettag $0x0;
	lr =	simm.s32 $0x1  }
0x2: {  	[smem:$0x3F9A] =	sst lr;
	_ =	strace $0xD0000000  }
0x3: {  	_ = 	snop  }
0x4: {  	_ = 	snop  }
0x5: {  	_ = 	snop  }
0x6: {  	_ = 	snop  }
0x7: {  	_ = 	snop  }
__scs_overlays_trampoline_lowered:
0x8: {  	[smem:$0x3FA9] =	sst s0  }
0x9: {  	[smem:$0x3FAA] =	sst s1  }
0xa: {  	[smem:$0x3FAB] =	sst s2  }
0xb: {  	[smem:$0x3FAC] =	sst s3  }
0xc: {  	[smem:$0x3FAD] =	sst s4  }
0xd: {  	[smem:$0x3FAE] =	sst s5  }
0xe: {  	[smem:$0x3FAF] =	sst s6  }
0xf: {  	[smem:$0x3FB0] =	sst s7  }
0x10: {  	[smem:$0x3FB1] =	sst s8  }
0x11: {  	[smem:$0x3FB2] =	sst s9;
	s0 =	simm.s32 @!p0 $0x0  }
0x12: {  	s1 =	sld [smem:$0x3F98];
	s0 =	simm.s32 @p0 $0x1  }
0x13: {  	[smem:$0x3FB3] =	sst s0;
	s0 =	simm.s32 @!p1 $0x0  }
0x14: {  	s2 =	sld [smem:$0x3F97];
	s0 =	simm.s32 @p1 $0x1  }
0x15: {  	[smem:$0x3FB4] =	sst s0;
	s0 =	simm.s32 @!p2 $0x0  }
0x16: {  	s3 =	sld [smem:$0x3FDB];
	s0 =	simm.s32 @p2 $0x1  }
0x17: {  	s4 =	simm.s32 $0x1BF5;
	[smem:$0x3FB6] =	sst s0  }
0x18: {  	s0 =	sld [smem:$0x3F99];
	_ =	swait.ge [sflag:s4], $0x0  }
0x19: {  	s7 =	sld [smem:$0x3F9A]  }
0x1a: {  	s8 =	sadd.s32 $0xFFFFE003, lr  }
0x1b: {  	s9 =	sadd.s32 $0xFFFFFEF7, lr;
	s5 =	simm.s32 $0xFFFFFFFF;
	p2 =	slt.u32 s8, $0xFFFFF086  }
0x1c: {  	p1 =	slt.u32 s9, $0xF7A;
	s5 =	simm.s32 @!p2 $0x0  }
0x1d: {  	s5 =	simm.s32 @p1 $0x1;
	p0 =	seq.s32 s7, s2  }
0x1e: {  	s7 =	smul.u32 @!p0 $0xF7A, s2;
	p2 =	seq.s32 @!p0 s5, $0x0  }
0x1f: {  	s9 =	smul.u32 $0xF7A, s1;
	s8 =	simm.s32 @!p0 $0x1BF5;
	p2 =	por !p2, p0  }
0x20: {  	[sflag:s8] =	ssyncset.s32 @!p0 $0xFFFFF086;
	s6 =	sadd.s32 @!p0 s3, s7;
	s7 =	simm.s32 @!p0 $0x108  }
0x21: {  	s3 =	sadd.s32 s3, s9;
	s6 =	sadd.s32 @!p0 $0x88, s6;
	s7 =	simm.s32 @p2 $0x1082  }
0x22: {  	[simem:s7], [sflag:s8] =	dma.local @!p0 [hbm:s6], $0xF7A  }
0x23: {  	s9 =	sor.u32 $0xD0000000, s2;
	s6 =	simm.s32 $0x108;
	_ =	swait.ge @!p0 [sflag:s8], $0x0  }
0x24: {  	s3 =	sadd.s32 $0x88, s3;
	s6 =	simm.s32 @!p1 $0x1082;
	[sflag:s4] =	ssyncset.s32 $0xFFFFF086  }
0x25: {  	[simem:s6], [sflag:s4] =	dma.local [hbm:s3], $0xF7A  }
0x26: {  	[smem:$0x3F9A] =	sst s1;
	(tag) =	ssettag s2;
	_ =	strace s9  }
0x27: {  	s1 =	sld [smem:$0x3FAA]  }
0x28: {  	s2 =	sld [smem:$0x3FAB]  }
0x29: {  	s4 =	sld [smem:$0x3FAD]  }
0x2a: {  	p0 =	seq.s32 s5, $0x0;
	s5 =	sld [smem:$0x3FAE]  }
0x2b: {  	s6 =	sld [smem:$0x3FAF]  }
0x2c: {  	s7 =	sld [smem:$0x3FB0]  }
0x2d: {  	s3 =	simm.s32 $0x108;
	s8 =	sld [smem:$0x3FB1]  }
0x2e: {  	s3 =	simm.s32 @!p0 $0x1082;
	s9 =	sld [smem:$0x3FB2]  }
0x2f: {  	lr =	sadd.s32 s0, s3;
	s0 =	sld [smem:$0x3FA9]  }
0x30: {  	s3 =	sld [smem:$0x3FAC]  }
0x31: {  	[smem:$0x3FB5] =	sst s10  }
0x32: {  	s10 =	sld [smem:$0x3FB3];
	_ =	sdelay $0x3  }
0x33: {  	p0 =	seq.s32 s10, $0x1;
	s10 =	sld [smem:$0x3FB5];
	_ =	sdelay $0x3  }
0x34: {  	[smem:$0x3FB5] =	sst s10  }
0x35: {  	s10 =	sld [smem:$0x3FB4];
	_ =	sdelay $0x3  }
0x36: {  	p1 =	seq.s32 s10, $0x1;
	s10 =	sld [smem:$0x3FB5];
	_ =	sdelay $0x3  }
0x37: {  	[smem:$0x3FB5] =	sst s10  }
0x38: {  	s10 =	sld [smem:$0x3FB6]  }
0x39: {  	_ = 	snop;
	(pc) =	sbr.ind lr, $3  }
0x3a: {  	_ = 	snop  }
0x3b: {  	_ = 	snop  }
0x3c: {  	p2 =	seq.s32 s10, $0x1;
	s10 =	sld [smem:$0x3FB5]  }
0x3d: {  	_ =	shalt  }
0x3e: {  	_ =	shalt  }
0x3f: {  	_ =	shalt  }
0x40: {  	_ =	shalt  }
0x41: {  	_ =	shalt  }
0x42: {  	_ =	shalt  }
0x43: {  	_ =	shalt  }
0x44: {  	_ =	shalt  }
0x45: {  	_ =	shalt  }
0x46: {  	_ =	shalt  }
0x47: {  	_ =	shalt  }
0x48: {  	_ =	shalt  }
0x49: {  	_ =	shalt  }
0x4a: {  	_ =	shalt  }
0x4b: {  	_ =	shalt  }
0x4c: {  	_ =	shalt  }
0x4d: {  	_ =	shalt  }
0x4e: {  	_ =	shalt  }
0x4f: {  	_ =	shalt  }
0x50: {  	_ =	shalt  }
0x51: {  	_ =	shalt  }
0x52: {  	_ =	shalt  }
0x53: {  	_ =	shalt  }
0x54: {  	_ =	shalt  }
0x55: {  	_ =	shalt  }
0x56: {  	_ =	shalt  }
0x57: {  	_ =	shalt  }
0x58: {  	_ =	shalt  }
0x59: {  	_ =	shalt  }
0x5a: {  	_ =	shalt  }
0x5b: {  	_ =	shalt  }
0x5c: {  	_ =	shalt  }
0x5d: {  	_ =	shalt  }
0x5e: {  	_ =	shalt  }
0x5f: {  	_ =	shalt  }
0x60: {  	_ =	shalt  }
0x61: {  	_ =	shalt  }
0x62: {  	_ =	shalt  }
0x63: {  	_ =	shalt  }
0x64: {  	_ =	shalt  }
0x65: {  	_ =	shalt  }
0x66: {  	_ =	shalt  }
0x67: {  	_ =	shalt  }
0x68: {  	_ =	shalt  }
0x69: {  	_ =	shalt  }
0x6a: {  	_ =	shalt  }
0x6b: {  	_ =	shalt  }
0x6c: {  	_ =	shalt  }
0x6d: {  	_ =	shalt  }
0x6e: {  	_ =	shalt  }
0x6f: {  	_ =	shalt  }
0x70: {  	_ =	shalt  }
0x71: {  	_ =	shalt  }
0x72: {  	_ =	shalt  }
0x73: {  	_ =	shalt  }
0x74: {  	_ =	shalt  }
0x75: {  	_ =	shalt  }
0x76: {  	_ =	shalt  }
0x77: {  	_ =	shalt  }
0x78: {  	_ =	shalt  }
0x79: {  	_ =	shalt  }
0x7a: {  	_ =	shalt  }
0x7b: {  	_ =	shalt  }
0x7c: {  	_ =	shalt  }
0x7d: {  	_ =	shalt  }
0x7e: {  	_ =	shalt  }
0x7f: {  	_ =	shalt  }
0x80: {  	_ =	shalt  }
0x81: {  	_ =	shalt  }
0x82: {  	_ =	shalt  }
0x83: {  	_ =	shalt  }
0x84: {  	_ =	shalt  }
0x85: {  	_ =	shalt  }
0x86: {  	_ =	shalt  }
0x87: {  	_ =	shalt  }
.Lfunc_end0:
.L_simem_size_0:
called_computation_lowered:
.L_overlay_start_0:
0x88: {  	s2 =	sld [smem:$0x3FD9]  }
0x89: {  	s3 =	sld [smem:$0x3FFE];
	_ =	sdelay $0x1  }
0x8a: {  	s1 =	srdreg.scid  }
0x8b: {  	s0 =	sand.u32 $0x1, s1  }
0x8c: {  	s17 =	sshll.u32 s0, $0xA;
	s2 =	sadd.s32 s3, s2  }
0x8d: {  	s2 =	sadd.s32 s2, s17  }
0x8e: {  	[smem:$0x3FC1] =	sst s2  }
0x8f: {  	_ = 	snop  }
0x90: {  	s2 =	sld [smem:$0x3FD0];
	(tm) =	ssettm $0x1  }
0x91: {  	s18 =	sld [smem:$0x3FFB];
	_ =	sdelay $0x3  }
0x92: {  	_ =	strace s18  }
0x93: {  	s3 =	sld [smem:$0x3FFC];
	_ =	sdelay $0x3  }
0x94: {  	_ =	strace s3  }
0x95: {  	s3 =	sld [smem:$0x3FFD];
	_ =	sdelay $0x3  }
0x96: {  	_ =	strace s3  }
0x97: {  	_ =	strace $0x8FFFFFFF  }
0x98: {  	s19 =	sld [smem:$0x3FDB];
	_ =	sdelay $0x1  }
0x99: {  	s4 =	simm.s32 $_scs_section_size  }
0x9a: {  	s5 =	simm.s32 $_size__tile_overlayer_lowered;
	s6 =	simm.s32 $_tile_overlayer_lowered  }
0x9b: {  	s22 =	simm.s32 $0x1BFF;
	s21 =	sshll.u32 s6, $0x1;
	s3 =	sadd.s32 s4, s19  }
0x9c: {  	s7 =	simm.s32 $0x0;
	s20 =	sshll.u32 s5, $0x1;
	s5 =	sadd.s32 s21, s3  }
0x9d: {  	[timem:s7], [sflag:s22] =	dma.local [hbm:s5], s20  }
0x9e: {  	_ =	swait.ge [sflag:s22], s20  }
0x9f: {  	s4 =	ssub.s32 $0x0, s20;
	[sflag:s22] =	ssyncset.done $0x0  }
0xa0: {  	[sflag:s22] =	ssyncadd.s32 s4;
	_ =	sdelay $0x1  }
0xa1: {  	s23 =	simm.s32 $0x1B8B  }
0xa2: {  	_ =	swait.ge [sflag:s23], $0x1  }
0xa3: {  	[sflag:s23] =	ssyncset.done $0x0  }
0xa4: {  	s25 =	simm.s32 $0x1B8E;
	s24 =	sld [smem:$0x3FFE];
	[sflag:s23] =	ssyncadd.s32 $0xFFFFFFFF  }
0xa5: {  	s26 =	simm.s32 $execute0_lowered;
	[smem:$0x3FD2] =	sst s25  }
0xa6: {  	s5 =	sshll.u32 s26, $0x1;
	_ =	strace $0x80000046;
	[dreg:$0x1] =	wrdreg $0xFFFFFFFF  }
0xa7: {  	s28 =	simm.s32 $_size_execute0_lowered;
	s3 =	sadd.s32 s3, s5;
	[dreg:$0x0] =	wrdreg $0x0  }
0xa8: {  	s5 =	sshll.u32 s28, $0x1;
	[dreg:$0x2] =	wrdreg s3  }
0xa9: {  	[dreg:$0x3] =	wrdreg s5  }
0xaa: {  	[dreg:$0x4] =	wrdreg $0xC0  }
0xab: {  	_ =	task [dreg:s7], $0x5FFFF  }
0xac: {  	[dreg:$0x1] =	wrdreg $0xFFFFFFFF  }
0xad: {  	[dreg:$0x0] =	wrdreg $0x60  }
0xae: {  	[dreg:$0x2] =	wrdreg s2  }
0xaf: {  	[dreg:$0x3] =	wrdreg s24  }
0xb0: {  	[dreg:$0x4] =	wrdreg $0xA8000  }
0xb1: {  	[dreg:$0x5] =	wrdreg $0x9  }
0xb2: {  	_ =	task.clear_ibuf [dreg:s7], $0x6FFFF;
	_ =	strace $0x90000046  }
0xb3: {  	s29 =	simm.s32 $0x9;
	_ =	strace $0x80000048  }
0xb4: {  	_ =	swait.ge [sflag:s29], $0x1  }
0xb5: {  	[sflag:s29] =	ssyncadd.s32 $0xFFFFFFFF  }
0xb6: {  	_ =	strace $0x90000048  }
0xb7: {  	_ =	sfence  }
0xb8: {  	s30 =	sld [smem:$0x0];
	_ =	sdelay $0x2  }
0xb9: {  	s31 =	sshll.u32 s1, $0xD;
	s1 =	sshrl.u32 s1, $0x2  }
0xba: {  	s3 =	sand.u32 $0x4000, s31;
	s1 =	sadd.s32 s1, s30  }
0xbb: {  	s0 =	sor.u32 s3, s0;
	s1 =	sshll.u32 s1, $0x11  }
0xbc: {  	s0 =	sor.u32 s1, s0  }
0xbd: {  	s0 =	sadd.s32 $0x8F2B, s0  }
0xbe: {  	[sflag:s0] =	ssyncadd.remote.s32 $0x1  }
0xbf: {  	_ =	sfence.sel $0xFFFF  }
0xc0: {  	[dreg:$0x0] =	wrdreg $0xFFFFFFFF;
	(pc) =	sbr.abs _section_cstart, $3  }
0xc1: {  	[dreg:$0x1] =	wrdreg $0xFFFFFFFF  }
0xc2: {  	_ =	task.clear_ibuf [dreg:s7], $0x2FFFF;
	_ =	strace $0x9FFFFFFF  }
0xc3: {  	(tm) =	ssettm $0x7FFFFFFF  }
tec
execute0_lowered:
.L_overlay_start_1:
0x0: {  	(tag) =	ssettag $0x1  }
0x1: {  	s1 =	rddreg [dreg:$0x0]  }
0x2: {  	s0 =	rddreg [dreg:$0x1]  }
0x3: {  	s2 =	srdreg.scid;
	s9 =	stileid.u32  }
0x4: {  	s3 =	rddreg [dreg:$0x2];
	s4 =	simm.s32 $0x0;
	s15 =	simm.s32 $0x5  }
0x5: {  	s28 =	simm.s32 $0x2800;
	s29 =	simm.s32 $0x6800;
	s30 =	simm.s32 $0x4  }
0x6: {  	s31 =	simm.s32 $0x1;
	s2 =	sand.u32 $0x1, s2;
	s7 =	smul.u32 $0x50000, s9  }
0x7: {  	s5 =	sshll.u32 s9, $0x1;
	[smem:$0x7FF] =	sst s4;
	s20 =	smul.u32 $0x280, s9  }
0x8: {  	s8 =	sadd.s32 $0x15A00, s0;
	s9 =	smul.u32 $0x2800, s9;
	s5 =	sor.u32 s2, s5  }
0x9: {  	_ =	strace $0x80000047;
	s6 =	smul.u32 $0x28000, s2;
	s2 =	ssub.s32 $0x2, s2  }
0xa: {  	[dreg:$0x4] =	wrdreg s8;
	s5 =	smul.u32 $0x500, s5;
	s17 =	sshrl.u32 s2, $0x1  }
0xb: {  	s19 =	sshrl.u32 s7, $0x2;
	s23 =	sadd.s32 $0x80, s20;
	s10 =	sadd.s32 $0x100, s20  }
0xc: {  	s12 =	sadd.s32 $0x180, s20;
	s2 =	ssub.s32 s2, s17;
	s8 =	sadd.s32 s19, s3  }
0xd: {  	s26 =	sshll.u32 s23, $0x7;
	s11 =	sshll.u32 s10, $0x7;
	s13 =	sshll.u32 s12, $0x7  }
0xe: {  	s10 =	sshll.u32 s10, $0x4;
	s12 =	sshll.u32 s12, $0x4;
	s5 =	sadd.s32 s5, s0  }
0xf: {  	s0 =	sadd.s32 s6, s0;
	s2 =	smax.u32 s2, $0x1;
	s21 =	sadd.s32 $0x4000, s8  }
0x10: {  	s22 =	sadd.s32 $0x8000, s8;
	s24 =	sadd.s32 $0xC000, s8;
	[dreg:$0x7] =	wrdreg s2  }
0x11: {  	s25 =	sadd.s32 $0x10000, s8;
	s11 =	sadd.s32 s11, s3;
	[dreg:$0x8] =	wrdreg s21  }
0x12: {  	s6 =	sadd.s32 $0x200, s20;
	s13 =	sadd.s32 s13, s3;
	[dreg:$0x9] =	wrdreg s22  }
0x13: {  	s18 =	sadd.s32 $0x1A00, s5;
	s7 =	sadd.s32 $0xBA00, s5;
	[dreg:$0xa] =	wrdreg s24  }
0x14: {  	s5 =	sadd.s32 $0x1C80, s5;
	s0 =	sadd.s32 $0x16200, s0;
	[dreg:$0xb] =	wrdreg s25  }
0x15: {  	s2 =	sshll.u32 s23, $0x4;
	s14 =	sshll.u32 s6, $0x7;
	s6 =	sshll.u32 s6, $0x4  }
0x16: {  	s21 =	simm.s32 $0x1400;
	s23 =	sshrl.u32 s11, $0x3;
	[dreg:$0x5] =	wrdreg s18  }
0x17: {  	s24 =	sshrl.u32 s13, $0x3;
	s11 =	simm.s32 $0x2780;
	[dreg:$0x6] =	wrdreg s5  }
0x18: {  	s5 =	sadd.s32 s26, s3;
	s14 =	sadd.s32 s14, s3;
	s9 =	sadd.s32 s9, s0  }
0x19: {  	s17 =	sadd.s32 s2, s0;
	s18 =	sadd.s32 s10, s0;
	s19 =	sadd.s32 s12, s0  }
0x1a: {  	s20 =	sadd.s32 s6, s0;
	s26 =	simm.s32 $0x80;
	s2 =	simm.s32 $0x3  }
0x1b: {  	s0 =	simm.s32 $0x100;
	s6 =	simm.s32 $0x1480;
	s10 =	simm.s32 $0x2700  }
0x1c: {  	s12 =	simm.s32 $0x0;
	[dreg:$0xc] =	wrdreg s9;
	s22 =	sshrl.u32 s5, $0x3  }
0x1d: {  	s25 =	sshrl.u32 s14, $0x3;
	s5 =	simm.s32 $0x2;
	s9 =	simm.s32 $0x1380  }
.LBB2_1:
0x1e: {  	s13 =	rddreg [dreg:$0x5]  }
0x1f: {  	[tilespmem:s4], [sflag:$0x5] =	stream.linear.gather [hbm4b:s13+s4], $0x1400, $0x38;
	[tilespmem:$0x1E800] =	vst v63  }
0x20: {  	_ =	swait.ge [sflag:s15], $0x1400  }
0x21: {  	[sflag:s15] =	ssyncset.done $0x0  }
0x22: {  	[sflag:s15] =	ssyncadd.s32 $0xFFFFEC00  }
0x23: {  	[tilespmem:s21], [sflag:$0x5] =	stream.linear.gather [hbm4b:s7+s4], $0x1400, $0x38;
	[tilespmem:$0x1E800] =	vst v63  }
0x24: {  	_ =	swait.ge [sflag:s15], $0x1400  }
0x25: {  	[sflag:s15] =	ssyncset.done $0x0  }
0x26: {  	[sflag:s15] =	ssyncadd.s32 $0xFFFFEC00  }
0x27: {  	[tilespmem:s28], [sflag:$0x1] =	stream.indirect.gather [hbm4b:s1+s26], $0x80, s4, s26, $0xb8;
	[tilespmem:$0x1E800] =	vst v63  }
0x28: {  	s14 =	rddreg [dreg:$0x4]  }
0x29: {  	[tilespmem:s29], [sflag:$0x5] =	stream.linear.gather [hbm4b:s14+s4], $0x4000, $0x38;
	[tilespmem:$0x1E800] =	vst v63  }
0x2a: {  	_ =	swait.ge [sflag:s15], $0x4000  }
0x2b: {  	[sflag:s15] =	ssyncset.done $0x0  }
0x2c: {  	[sflag:s15] =	ssyncadd.s32 $0xFFFFC000  }
0x2d: {  	[spmem:s8] =	stream.linear.scatter [tilespmem:s29], [sflag:$0x4], $0x4000, $0x38;
	[tilespmem:$0x1E800] =	vst v63  }
0x2e: {  	s16 =	rddreg [dreg:$0x8]  }
0x2f: {  	[spmem:s16] =	stream.linear.scatter [tilespmem:s29], [sflag:$0x4], $0x4000, $0x38;
	[tilespmem:$0x1E800] =	vst v63  }
0x30: {  	s14 =	rddreg [dreg:$0x9]  }
0x31: {  	[spmem:s14] =	stream.linear.scatter [tilespmem:s29], [sflag:$0x4], $0x4000, $0x38;
	[tilespmem:$0x1E800] =	vst v63  }
0x32: {  	s16 =	rddreg [dreg:$0xa]  }
0x33: {  	[spmem:s16] =	stream.linear.scatter [tilespmem:s29], [sflag:$0x4], $0x4000, $0x38;
	[tilespmem:$0x1E800] =	vst v63  }
0x34: {  	s14 =	rddreg [dreg:$0xb]  }
0x35: {  	[spmem:s14] =	stream.linear.scatter [tilespmem:s29], [sflag:$0x4], $0x4000, $0x38;
	[tilespmem:$0x1E800] =	vst v63  }
0x36: {  	_ =	swait.ge [sflag:s30], $0x4000  }
0x37: {  	[sflag:s30] =	ssyncset.done $0x0  }
0x38: {  	[sflag:s30] =	ssyncadd.s32 $0xFFFFC000  }
0x39: {  	_ =	swait.ge [sflag:s30], $0x4000  }
0x3a: {  	[sflag:s30] =	ssyncset.done $0x0  }
0x3b: {  	[sflag:s30] =	ssyncadd.s32 $0xFFFFC000  }
0x3c: {  	_ =	swait.ge [sflag:s30], $0x4000  }
0x3d: {  	[sflag:s30] =	ssyncset.done $0x0  }
0x3e: {  	[sflag:s30] =	ssyncadd.s32 $0xFFFFC000  }
0x3f: {  	_ =	swait.ge [sflag:s30], $0x4000  }
0x40: {  	[sflag:s30] =	ssyncset.done $0x0  }
0x41: {  	[sflag:s30] =	ssyncadd.s32 $0xFFFFC000  }
0x42: {  	_ =	swait.ge [sflag:s30], $0x4000  }
0x43: {  	[sflag:s30] =	ssyncset.done $0x0  }
0x44: {  	[sflag:s30] =	ssyncadd.s32 $0xFFFFC000  }
0x45: {  	[tilespmem:s29], [sflag:$0x2] =	stream.indirect.gather [hbm4b:s1+s26], $0x80, s26, s26, $0xb8;
	[tilespmem:$0x1E800] =	vst v63  }
0x46: {  	[bflag:$0x0] =	sbarrier.arrive $0xFFFF  }
0x47: {  	_ =	swait.ge [sflag:s31], $0x4000  }
0x48: {  	[sflag:s31] =	ssyncset.done $0x0  }
0x49: {  	[sflag:s31] =	ssyncadd.s32 $0xFFFFC000  }
0x4a: {  	[spmem:s3] =	stream.indirect.scatter.add.f32 [tilespmem:s28], [sflag:$0x3], $0x80, s21, s26, $0xb8;
	[tilespmem:$0x1E800] =	vst v63  }
0x4b: {  	_ =	swait.ge [sflag:s2], $0x4000  }
0x4c: {  	[sflag:s2] =	ssyncset.done $0x0  }
0x4d: {  	[sflag:s2] =	ssyncadd.s32 $0xFFFFC000  }
0x4e: {  	[tilespmem:s28], [sflag:$0x1] =	stream.indirect.gather [hbm4b:s1+s26], $0x80, s0, s26, $0xb8;
	[tilespmem:$0x1E800] =	vst v63  }
0x4f: {  	_ =	swait.ge [sflag:s5], $0x4000  }
0x50: {  	[sflag:s5] =	ssyncset.done $0x0  }
0x51: {  	[sflag:s5] =	ssyncadd.s32 $0xFFFFC000  }
0x52: {  	[spmem:s3] =	stream.indirect.scatter.add.f32 [tilespmem:s29], [sflag:$0x4], $0x80, s6, s26, $0xb8;
	[tilespmem:$0x1E800] =	vst v63  }
0x53: {  	_ =	swait.ge [sflag:s30], $0x4000  }
0x54: {  	[sflag:s30] =	ssyncset.done $0x0  }
0x55: {  	s16 =	simm.s32 $0x180;
	[sflag:s30] =	ssyncadd.s32 $0xFFFFC000  }
0x56: {  	[tilespmem:s29], [sflag:$0x2] =	stream.indirect.gather [hbm4b:s1+s26], $0x80, s16, s26, $0xb8;
	[tilespmem:$0x1E800] =	vst v63  }
0x57: {  	_ =	swait.ge [sflag:s31], $0x4000  }
0x58: {  	[sflag:s31] =	ssyncset.done $0x0  }
0x59: {  	s14 =	simm.s32 $0x1500;
	[sflag:s31] =	ssyncadd.s32 $0xFFFFC000  }
0x5a: {  	[spmem:s3] =	stream.indirect.scatter.add.f32 [tilespmem:s28], [sflag:$0x3], $0x80, s14, s26, $0xb8;
	[tilespmem:$0x1E800] =	vst v63  }
0x5b: {  	_ =	swait.ge [sflag:s2], $0x4000  }
0x5c: {  	[sflag:s2] =	ssyncset.done $0x0  }
0x5d: {  	s16 =	simm.s32 $0x200;
	[sflag:s2] =	ssyncadd.s32 $0xFFFFC000  }
0x5e: {  	[tilespmem:s28], [sflag:$0x1] =	stream.indirect.gather [hbm4b:s1+s26], $0x80, s16, s26, $0xb8;
	[tilespmem:$0x1E800] =	vst v63  }
0x5f: {  	_ =	swait.ge [sflag:s5], $0x4000  }
0x60: {  	[sflag:s5] =	ssyncset.done $0x0  }
0x61: {  	s13 =	simm.s32 $0xFFFFBC00;
	s14 =	simm.s32 $0x1580;
	[sflag:s5] =	ssyncadd.s32 $0xFFFFC000  }
.LBB2_2:
0x62: {  	[spmem:s3] =	stream.indirect.scatter.add.f32 [tilespmem:s29], [sflag:$0x4], $0x80, s14, s26, $0xb8;
	[tilespmem:$0x1E800] =	vst v63  }
0x63: {  	s14 =	smov.u32 s13  }
0x64: {  	p0 =	sne.s32 s13, $0xFFFFFC00;
	s13 =	sadd.s32 $0x400, s13;
	_ =	swait.ge [sflag:s30], $0x4000  }
0x65: {  	s14 =	sshra.s32 s14, $0x2;
	[sflag:s30] =	ssyncset.done $0x0  }
0x66: {  	s16 =	sadd.s32 $0x1380, s14;
	[sflag:s30] =	ssyncadd.s32 $0xFFFFC000  }
0x67: {  	[tilespmem:s29], [sflag:$0x2] =	stream.indirect.gather [hbm4b:s1+s26], $0x80, s16, s26, $0xb8;
	[tilespmem:$0x1E800] =	vst v63  }
0x68: {  	_ =	swait.ge [sflag:s31], $0x4000  }
0x69: {  	[sflag:s31] =	ssyncset.done $0x0  }
0x6a: {  	s16 =	sadd.s32 $0x2700, s14;
	[sflag:s31] =	ssyncadd.s32 $0xFFFFC000  }
0x6b: {  	[spmem:s3] =	stream.indirect.scatter.add.f32 [tilespmem:s28], [sflag:$0x3], $0x80, s16, s26, $0xb8;
	[tilespmem:$0x1E800] =	vst v63  }
0x6c: {  	_ =	swait.ge [sflag:s2], $0x4000  }
0x6d: {  	[sflag:s2] =	ssyncset.done $0x0  }
.Ltmp0:
0x6e: {  	s16 =	sadd.s32 $0x1400, s14;
	[sflag:s2] =	ssyncadd.s32 $0xFFFFC000;
	(pc) =	sbr.rel @p0 .LBB2_2-.Ltmp0, $4  }
0x6f: {  	[tilespmem:s28], [sflag:$0x1] =	stream.indirect.gather [hbm4b:s1+s26], $0x80, s16, s26, $0xb8;
	[tilespmem:$0x1E800] =	vst v63  }
0x70: {  	_ =	swait.ge [sflag:s5], $0x4000  }
0x71: {  	[sflag:s5] =	ssyncset.done $0x0  }
0x72: {  	s14 =	sadd.s32 $0x2780, s14;
	[sflag:s5] =	ssyncadd.s32 $0xFFFFC000  }
0x73: {  	[spmem:s3] =	stream.indirect.scatter.add.f32 [tilespmem:s29], [sflag:$0x4], $0x80, s14, s26, $0xb8;
	[tilespmem:$0x1E800] =	vst v63  }
0x74: {  	_ =	swait.ge [sflag:s30], $0x4000  }
0x75: {  	[sflag:s30] =	ssyncset.done $0x0  }
0x76: {  	[sflag:s30] =	ssyncadd.s32 $0xFFFFC000  }
0x77: {  	[tilespmem:s29], [sflag:$0x2] =	stream.indirect.gather [hbm4b:s1+s26], $0x80, s9, s26, $0xb8;
	[tilespmem:$0x1E800] =	vst v63  }
0x78: {  	_ =	swait.ge [sflag:s31], $0x4000  }
0x79: {  	[sflag:s31] =	ssyncset.done $0x0  }
0x7a: {  	[sflag:s31] =	ssyncadd.s32 $0xFFFFC000  }
0x7b: {  	[spmem:s3] =	stream.indirect.scatter.add.f32 [tilespmem:s28], [sflag:$0x3], $0x80, s10, s26, $0xb8;
	[tilespmem:$0x1E800] =	vst v63  }
0x7c: {  	_ =	swait.ge [sflag:s2], $0x4000  }
0x7d: {  	[sflag:s2] =	ssyncset.done $0x0  }
0x7e: {  	[sflag:s2] =	ssyncadd.s32 $0xFFFFC000  }
0x7f: {  	_ =	swait.ge [sflag:s5], $0x4000  }
0x80: {  	[sflag:s5] =	ssyncset.done $0x0  }
0x81: {  	[sflag:s5] =	ssyncadd.s32 $0xFFFFC000  }
0x82: {  	[spmem:s3] =	stream.indirect.scatter.add.f32 [tilespmem:s29], [sflag:$0x4], $0x80, s11, s26, $0xb8;
	[tilespmem:$0x1E800] =	vst v63  }
0x83: {  	_ =	swait.ge [sflag:s30], $0x4000  }
0x84: {  	[sflag:s30] =	ssyncset.done $0x0  }
0x85: {  	s13 =	rddreg [dreg:$0x6];
	[sflag:s30] =	ssyncadd.s32 $0xFFFFC000  }
0x86: {  	[tilespmem:s4], [sflag:$0x5] =	stream.linear.gather [hbm4b:s13+s4], $0x1400, $0x38;
	[tilespmem:$0x1E800] =	vst v63  }
0x87: {  	_ =	swait.ge [sflag:s15], $0x1400  }
0x88: {  	[sflag:s15] =	ssyncset.done $0x0  }
0x89: {  	s14 =	sadd.s32 $0x280, s7;
	[sflag:s15] =	ssyncadd.s32 $0xFFFFEC00  }
0x8a: {  	[tilespmem:s21], [sflag:$0x5] =	stream.linear.gather [hbm4b:s14+s4], $0x1400, $0x38;
	[tilespmem:$0x1E800] =	vst v63  }
0x8b: {  	_ =	swait.ge [sflag:s15], $0x1400  }
0x8c: {  	[sflag:s15] =	ssyncset.done $0x0  }
0x8d: {  	[sflag:s15] =	ssyncadd.s32 $0xFFFFEC00  }
0x8e: {  	[tilespmem:s28], [sflag:$0x1] =	stream.indirect.gather [hbm4b:s1+s26], $0x80, s4, s26, $0xb8;
	[tilespmem:$0x1E800] =	vst v63  }
0x8f: {  	_ = 	snop  }
0x90: {  	[tilespmem:s29], [sflag:$0x2] =	stream.indirect.gather [hbm4b:s1+s26], $0x80, s26, s26, $0xb8;
	[tilespmem:$0x1E800] =	vst v63  }
0x91: {  	_ =	swait.ge [sflag:s31], $0x4000  }
0x92: {  	[sflag:s31] =	ssyncset.done $0x0  }
0x93: {  	[sflag:s31] =	ssyncadd.s32 $0xFFFFC000  }
0x94: {  	[spmem:s3] =	stream.indirect.scatter.add.f32 [tilespmem:s28], [sflag:$0x3], $0x80, s21, s26, $0xb8;
	[tilespmem:$0x1E800] =	vst v63  }
0x95: {  	_ =	swait.ge [sflag:s2], $0x4000  }
0x96: {  	[sflag:s2] =	ssyncset.done $0x0  }
0x97: {  	[sflag:s2] =	ssyncadd.s32 $0xFFFFC000  }
0x98: {  	[tilespmem:s28], [sflag:$0x1] =	stream.indirect.gather [hbm4b:s1+s26], $0x80, s0, s26, $0xb8;
	[tilespmem:$0x1E800] =	vst v63  }
0x99: {  	_ =	swait.ge [sflag:s5], $0x4000  }
0x9a: {  	[sflag:s5] =	ssyncset.done $0x0  }
0x9b: {  	[sflag:s5] =	ssyncadd.s32 $0xFFFFC000  }
0x9c: {  	[spmem:s3] =	stream.indirect.scatter.add.f32 [tilespmem:s29], [sflag:$0x4], $0x80, s6, s26, $0xb8;
	[tilespmem:$0x1E800] =	vst v63  }
0x9d: {  	_ =	swait.ge [sflag:s30], $0x4000  }
0x9e: {  	[sflag:s30] =	ssyncset.done $0x0  }
0x9f: {  	s16 =	simm.s32 $0x180;
	[sflag:s30] =	ssyncadd.s32 $0xFFFFC000  }
0xa0: {  	[tilespmem:s29], [sflag:$0x2] =	stream.indirect.gather [hbm4b:s1+s26], $0x80, s16, s26, $0xb8;
	[tilespmem:$0x1E800] =	vst v63  }
0xa1: {  	_ =	swait.ge [sflag:s31], $0x4000  }
0xa2: {  	[sflag:s31] =	ssyncset.done $0x0  }
0xa3: {  	s14 =	simm.s32 $0x1500;
	[sflag:s31] =	ssyncadd.s32 $0xFFFFC000  }
0xa4: {  	[spmem:s3] =	stream.indirect.scatter.add.f32 [tilespmem:s28], [sflag:$0x3], $0x80, s14, s26, $0xb8;
	[tilespmem:$0x1E800] =	vst v63  }
0xa5: {  	_ =	swait.ge [sflag:s2], $0x4000  }
0xa6: {  	[sflag:s2] =	ssyncset.done $0x0  }
0xa7: {  	s16 =	simm.s32 $0x200;
	[sflag:s2] =	ssyncadd.s32 $0xFFFFC000  }
0xa8: {  	[tilespmem:s28], [sflag:$0x1] =	stream.indirect.gather [hbm4b:s1+s26], $0x80, s16, s26, $0xb8;
	[tilespmem:$0x1E800] =	vst v63  }
0xa9: {  	_ =	swait.ge [sflag:s5], $0x4000  }
0xaa: {  	[sflag:s5] =	ssyncset.done $0x0  }
0xab: {  	s13 =	simm.s32 $0xFFFFBC00;
	s14 =	simm.s32 $0x1580;
	[sflag:s5] =	ssyncadd.s32 $0xFFFFC000  }
.LBB2_4:
0xac: {  	[spmem:s3] =	stream.indirect.scatter.add.f32 [tilespmem:s29], [sflag:$0x4], $0x80, s14, s26, $0xb8;
	[tilespmem:$0x1E800] =	vst v63  }
0xad: {  	s14 =	smov.u32 s13  }
0xae: {  	p0 =	sne.s32 s13, $0xFFFFFC00;
	s13 =	sadd.s32 $0x400, s13;
	_ =	swait.ge [sflag:s30], $0x4000  }
0xaf: {  	s14 =	sshra.s32 s14, $0x2;
	[sflag:s30] =	ssyncset.done $0x0  }
0xb0: {  	s16 =	sadd.s32 $0x1380, s14;
	[sflag:s30] =	ssyncadd.s32 $0xFFFFC000  }
0xb1: {  	[tilespmem:s29], [sflag:$0x2] =	stream.indirect.gather [hbm4b:s1+s26], $0x80, s16, s26, $0xb8;
	[tilespmem:$0x1E800] =	vst v63  }
0xb2: {  	_ =	swait.ge [sflag:s31], $0x4000  }
0xb3: {  	[sflag:s31] =	ssyncset.done $0x0  }
0xb4: {  	s16 =	sadd.s32 $0x2700, s14;
	[sflag:s31] =	ssyncadd.s32 $0xFFFFC000  }
0xb5: {  	[spmem:s3] =	stream.indirect.scatter.add.f32 [tilespmem:s28], [sflag:$0x3], $0x80, s16, s26, $0xb8;
	[tilespmem:$0x1E800] =	vst v63  }
0xb6: {  	_ =	swait.ge [sflag:s2], $0x4000  }
0xb7: {  	[sflag:s2] =	ssyncset.done $0x0  }
.Ltmp1:
0xb8: {  	s16 =	sadd.s32 $0x1400, s14;
	[sflag:s2] =	ssyncadd.s32 $0xFFFFC000;
	(pc) =	sbr.rel @p0 .LBB2_4-.Ltmp1, $4  }
0xb9: {  	[tilespmem:s28], [sflag:$0x1] =	stream.indirect.gather [hbm4b:s1+s26], $0x80, s16, s26, $0xb8;
	[tilespmem:$0x1E800] =	vst v63  }
0xba: {  	_ =	swait.ge [sflag:s5], $0x4000  }
0xbb: {  	[sflag:s5] =	ssyncset.done $0x0  }
0xbc: {  	s14 =	sadd.s32 $0x2780, s14;
	[sflag:s5] =	ssyncadd.s32 $0xFFFFC000  }
0xbd: {  	[spmem:s3] =	stream.indirect.scatter.add.f32 [tilespmem:s29], [sflag:$0x4], $0x80, s14, s26, $0xb8;
	[tilespmem:$0x1E800] =	vst v63  }
0xbe: {  	_ =	swait.ge [sflag:s30], $0x4000  }
0xbf: {  	[sflag:s30] =	ssyncset.done $0x0  }
0xc0: {  	[sflag:s30] =	ssyncadd.s32 $0xFFFFC000  }
0xc1: {  	[tilespmem:s29], [sflag:$0x2] =	stream.indirect.gather [hbm4b:s1+s26], $0x80, s9, s26, $0xb8;
	[tilespmem:$0x1E800] =	vst v63  }
0xc2: {  	_ =	swait.ge [sflag:s31], $0x4000  }
0xc3: {  	[sflag:s31] =	ssyncset.done $0x0  }
0xc4: {  	[sflag:s31] =	ssyncadd.s32 $0xFFFFC000  }
0xc5: {  	[spmem:s3] =	stream.indirect.scatter.add.f32 [tilespmem:s28], [sflag:$0x3], $0x80, s10, s26, $0xb8;
	[tilespmem:$0x1E800] =	vst v63  }
0xc6: {  	_ =	swait.ge [sflag:s2], $0x4000  }
0xc7: {  	[sflag:s2] =	ssyncset.done $0x0  }
0xc8: {  	[sflag:s2] =	ssyncadd.s32 $0xFFFFC000  }
0xc9: {  	_ =	swait.ge [sflag:s5], $0x4000  }
0xca: {  	[sflag:s5] =	ssyncset.done $0x0  }
0xcb: {  	[sflag:s5] =	ssyncadd.s32 $0xFFFFC000  }
0xcc: {  	[spmem:s3] =	stream.indirect.scatter.add.f32 [tilespmem:s29], [sflag:$0x4], $0x80, s11, s26, $0xb8;
	[tilespmem:$0x1E800] =	vst v63  }
0xcd: {  	_ =	swait.ge [sflag:s30], $0x4000  }
0xce: {  	[sflag:s30] =	ssyncset.done $0x0  }
0xcf: {  	s13 =	stileid.u32;
	[sflag:s30] =	ssyncadd.s32 $0xFFFFC000  }
0xd0: {  	s13 =	sshll.u32 s13, $0x6;
	[bflag:$0x0] =	sbarrier.arrive $0xFFFF  }
0xd1: {  	s14 =	sshrl.u32 s8, $0x3;
	s13 =	sor.u32 $0x1C01, s13;
	s16 =	rddreg [dreg:$0xc]  }
0xd2: {  	[hbm:s16], [sflag:s13] =	dma.local [spmem:s14], $0x800  }
0xd3: {  	[hbm:s17], [sflag:s13] =	dma.local [spmem:s22], $0x800  }
0xd4: {  	[hbm:s18], [sflag:s13] =	dma.local [spmem:s23], $0x800  }
0xd5: {  	[hbm:s19], [sflag:s13] =	dma.local [spmem:s24], $0x800  }
0xd6: {  	[hbm:s20], [sflag:s13] =	dma.local [spmem:s25], $0x800  }
0xd7: {  	_ =	swait.ge [sflag:s31], $0x800  }
0xd8: {  	[sflag:s31] =	ssyncset.done $0x0  }
0xd9: {  	[sflag:s31] =	ssyncadd.s32 $0xFFFFF800  }
0xda: {  	_ =	swait.ge [sflag:s31], $0x800  }
0xdb: {  	[sflag:s31] =	ssyncset.done $0x0  }
0xdc: {  	[sflag:s31] =	ssyncadd.s32 $0xFFFFF800  }
0xdd: {  	_ =	swait.ge [sflag:s31], $0x800  }
0xde: {  	[sflag:s31] =	ssyncset.done $0x0  }
0xdf: {  	[sflag:s31] =	ssyncadd.s32 $0xFFFFF800  }
0xe0: {  	_ =	swait.ge [sflag:s31], $0x800  }
0xe1: {  	[sflag:s31] =	ssyncset.done $0x0  }
0xe2: {  	[sflag:s31] =	ssyncadd.s32 $0xFFFFF800  }
0xe3: {  	_ =	swait.ge [sflag:s31], $0x800  }
0xe4: {  	s12 =	sadd.s32 $0x1, s12;
	s16 =	rddreg [dreg:$0x7]  }
0xe5: {  	p0 =	sne.s32 s12, s16  }
.Ltmp2:
0xe6: {  	_ = 	snop;
	(pc) =	sbr.rel @p0 .LBB2_1-.Ltmp2, $3  }
0xe7: {  	_ =	sdelay $0x1  }
0xe8: {  	[sflag:s31] =	ssyncset.done $0x0  }
0xe9: {  	[sflag:s31] =	ssyncadd.s32 $0xFFFFF800  }
0xea: {  	_ =	sfence.sel $0x180000  }
0xeb: {  	[bflag:$0x0] =	sbarrier.arrive $0xFFFF  }
0xec: {  	_ =	strace $0x90000047  }
0xed: {  	s0 =	stileid.u32;
	[bflag:$0x2] =	sbarrier.arrive $0xFFFF  }
0xee: {  	p0 =	sne.s32 s0, $0x0;
	s0 =	rddreg [dreg:$0x3]  }
0xef: {  	s0 =	sadd.s32 @!p0 $0x100000, s0  }
0xf0: {  	[sflag:s0] =	ssyncadd.tile.s32 @!p0 $0x1;
	_ =	shalt  }
.Lfunc_end2:
_tile_overlayer_lowered:
.L_overlay_start_2:
0xf1: {  	(tag) =	ssettag $0x2  }
0xf2: {  	s0 =	rddreg [dreg:$0x0];
	s2 =	stileid.u32  }
0xf3: {  	s1 =	rddreg [dreg:$0x1];
	p0 =	sne.s32 s2, $0x0  }
0xf4: {  	s3 =	rddreg [dreg:$0x2];
	[bflag:$0x3] =	sbarrier.arrive $0xFFFF;
	s2 =	simm.s32 @!p0 $0x1C05  }
0xf5: {  	[timem:s3], [sflag:s2] =	dma.local @!p0 [hbm:s0], s1  }
0xf6: {  	s0 =	simm.s32 @!p0 $0x5  }
0xf7: {  	_ =	swait.ge @!p0 [sflag:s0], s1  }
0xf8: {  	s1 =	ssub.s32 @!p0 $0x0, s1;
	[sflag:s0] =	ssyncset.done @!p0 $0x0  }
0xf9: {  	[sflag:s0] =	ssyncadd.s32 @!p0 s1  }
0xfa: {  	[bflag:$0x3] =	sbarrier.arrive $0xFFFF  }
0xfb: {  	_ =	shalt  }

</sc_bundles>
